<compile_context>
chip_gen: v7x
topology: tpu7x:2x2x1
jax: 0.10.2.dev20260603
libtpu: 0.0.44.dev20260713+nightly
codegen_flags: <defaults>
</compile_context>

<pallas_src>
import functools

import jax
import jax.numpy as jnp
from jax import lax
from jax.experimental import pallas as pl
from jax.experimental.pallas import tpu as pltpu
from jax.experimental.pallas import tpu_sc as plsc

_TOPK = 8
_NE = 64
_BLK = 512
_N = 8192
_NW = 32
_RPW = _N // _NW
_NEG = float("-inf")


def _matmul_kernel(x_ref, w_ref, b_ref, lt_ref):
    lt_ref[...] = jax.lax.dot_general(
        w_ref[...], x_ref[...], (((1,), (1,)), ((), ())),
        preferred_element_type=jnp.float32) + b_ref[...]


def _tc_logits_t(x, W, b):
    n_rows = x.shape[0]
    return pl.pallas_call(
        _matmul_kernel,
        grid=(n_rows // _BLK,),
        in_specs=[
            pl.BlockSpec((_BLK, x.shape[1]), lambda i: (i, 0)),
            pl.BlockSpec((_NE, x.shape[1]), lambda i: (0, 0)),
            pl.BlockSpec((_NE, _BLK), lambda i: (0, 0)),
        ],
        out_specs=pl.BlockSpec((_NE, _BLK), lambda i: (0, i)),
        out_shape=jax.ShapeDtypeStruct((_NE, n_rows), jnp.float32),
        compiler_params=pltpu.CompilerParams(
            dimension_semantics=("parallel",)),
    )(x, W, jnp.broadcast_to(b[:, None], (_NE, _BLK)))


@functools.partial(
    pl.kernel,
    mesh=plsc.VectorSubcoreMesh(core_axis_name="c", subcore_axis_name="s"),
    out_type=[
        jax.ShapeDtypeStruct((_NE, _N), jnp.float32),
        jax.ShapeDtypeStruct((_TOPK, _N), jnp.int32),
    ],
    scratch_types=[
        pltpu.VMEM((_NE, _RPW), jnp.float32),
        pltpu.VMEM((_NE, _RPW), jnp.float32),
        pltpu.VMEM((_TOPK, _RPW), jnp.int32),
    ],
)
def _sc_router(lt_hbm, router_hbm, idx_hbm, lt_v, out_v, idx_v):
    wid = lax.axis_index("s") * 2 + lax.axis_index("c")
    base = wid * _RPW
    pltpu.sync_copy(lt_hbm.at[:, pl.ds(base, _RPW)], lt_v)

    net8 = ((0, 1), (2, 3), (4, 5), (6, 7), (0, 2), (1, 3), (4, 6),
            (5, 7), (1, 2), (5, 6), (0, 4), (3, 7), (1, 5), (2, 6),
            (1, 4), (3, 6), (2, 4), (3, 5), (3, 4))
    clean8 = ((0, 4), (1, 5), (2, 6), (3, 7), (0, 2), (1, 3), (4, 6),
              (5, 7), (0, 1), (2, 3), (4, 5), (6, 7))

    def ce(vals, idxs, i, j):
        take = vals[i] >= vals[j]
        vi = jnp.where(take, vals[i], vals[j])
        vj = jnp.where(take, vals[j], vals[i])
        ii = jnp.where(take, idxs[i], idxs[j])
        ij = jnp.where(take, idxs[j], idxs[i])
        vals[i], vals[j], idxs[i], idxs[j] = vi, vj, ii, ij

    def group_body(j, carry):
        r0 = pl.multiple_of(j * 16, 16)

        def sorted_chunk(c):
            vals = [lt_v[8 * c + u, pl.ds(r0, 16)] for u in range(8)]
            idxs = [jnp.full((16,), 8 * c + u, jnp.int32) for u in range(8)]
            for a, b_ in net8:
                ce(vals, idxs, a, b_)
            return vals, idxs

        for e in range(_NE):
            v2 = lt_v[e, pl.ds(r0, 16)]
            out_v[e, pl.ds(r0, 16)] = v2
        for k in range(_TOPK):
            idx_v[k, pl.ds(r0, 16)] = jnp.full((16,), k, jnp.int32)
        return carry

    lax.fori_loop(0, _RPW // 16, group_body, 0)

    pltpu.sync_copy(out_v, router_hbm.at[:, pl.ds(base, _RPW)])
    pltpu.sync_copy(idx_v, idx_hbm.at[:, pl.ds(base, _RPW)])


@jax.jit
def kernel(x, W, b):
    logits_t = _tc_logits_t(x, W, b)
    router_t, idx_t = _sc_router(logits_t)
    return (router_t.T, idx_t.T)

# --- scband reference (transcript-rebuilt; emitter-appended) ---
"""Pipeline reference for scband-top-krouter-19464791786098 (READ-ONLY COPY).

The authoritative reference and input builder live on the scoring server;
editing this copy changes nothing except your own understanding.
"""

import jax, jax.numpy as jnp
import numpy as np

TOP_K = 8

def setup_inputs(seed: int = 0) -> dict:
    key = jax.random.key(seed)
    k1, k2, k3 = jax.random.split(key, 3)
    x = jax.random.normal(k1, (8192, 2048), dtype=jnp.float32)
    # nn.Linear(n_embd=2048, n_experts=64): weight [64, 2048], bias [64]
    bound = 1.0 / np.sqrt(2048.0)
    W = jax.random.uniform(k2, (64, 2048), dtype=jnp.float32, minval=-bound, maxval=bound)
    b = jax.random.uniform(k3, (64,), dtype=jnp.float32, minval=-bound, maxval=bound)
    return {"x": x, "W": W, "b": b}

def reference(x, W, b):
    # logits = route_linear(x)
    logits = x @ W.T + b
    # top_k over last dim
    top_k_logits, indices = jax.lax.top_k(logits, TOP_K)
    # scatter top-k logits into a full_like(-inf) tensor
    zeros = jnp.full_like(logits, -jnp.inf)
    rows = jnp.arange(logits.shape[0])[:, None]
    sparse_logits = zeros.at[rows, indices].set(top_k_logits)
    router_output = jax.nn.softmax(sparse_logits, axis=-1)
    return (router_output, indices)

if __name__ == "__main__":
    import jax
    _d = setup_inputs()
    print(jax.jit(kernel)(*tuple(_d.values())))

</pallas_src>

<mosaic_0001>
#map = affine_map<(d0, d1) -> (0, 0)>
module attributes {stable_mosaic.version = 14 : i64} {
  func.func @_sc_router(%arg0: i32, %arg1: i32, %arg2: memref<64x8192xf32, #tpu.memory_space<hbm>>, %arg3: memref<64x8192xf32, #tpu.memory_space<hbm>>, %arg4: memref<8x8192xi32, #tpu.memory_space<hbm>>, %arg5: memref<64x256xf32, #tpu.memory_space<vmem>>, %arg6: memref<64x256xf32, #tpu.memory_space<vmem>>, %arg7: memref<8x256xi32, #tpu.memory_space<vmem>>) attributes {dimension_semantics = [#tpu.dimension_semantics<core_parallel>, #tpu.dimension_semantics<subcore_parallel>], iteration_bounds = array<i64: 2, 16>, scalar_prefetch = 0 : i64, scratch_operands = 3 : i64, tpu.core_type = #tpu.core_type<sc_vector_subcore>, window_params = [{transform_indices = #map}, {transform_indices = #map}, {transform_indices = #map}]} {
    %mul3A = arith.constant 2 : i32
    %mul3A_0 = arith.muli %arg1, %mul3A : i32
    %add3A = arith.addi %mul3A_0, %arg0 : i32
    %mul3A_1 = arith.constant 256 : i32
    %mul3A_2 = arith.muli %add3A, %mul3A_1 : i32
    "tpu.region"() ({
      %run_scoped3A = tpu.sem_alloc : memref<!tpu.dma_semaphore, #tpu.memory_space<semaphore_mem>>
      %dma_start3A = arith.constant 0 : i32
      %dma_start3A_8 = tpu.memref_slice %arg2[%dma_start3A, %mul3A_2] : memref<64x8192xf32, #tpu.memory_space<hbm>> -> memref<64x256xf32, #tpu.memory_space<hbm>>
      %dma_start3A_9 = arith.constant 0 : i32
      %dma_start3A_10 = tpu.memref_slice %arg2[%dma_start3A_9, %mul3A_2] : memref<64x8192xf32, #tpu.memory_space<hbm>> -> memref<64x256xf32, #tpu.memory_space<hbm>>
      tpu.enqueue_dma source(%dma_start3A_10 : memref<64x256xf32, #tpu.memory_space<hbm>>) target(%arg5 : memref<64x256xf32, #tpu.memory_space<vmem>>) target_semaphore(%run_scoped3A : memref<!tpu.dma_semaphore, #tpu.memory_space<semaphore_mem>>)
      %dma_wait3A = arith.constant 0 : i32
      %dma_wait3A_11 = tpu.memref_slice %arg2[%dma_wait3A, %mul3A_2] : memref<64x8192xf32, #tpu.memory_space<hbm>> -> memref<64x256xf32, #tpu.memory_space<hbm>>
      %dma_wait3A_12 = arith.constant 0 : i32
      %dma_wait3A_13 = tpu.memref_slice %arg2[%dma_wait3A_12, %mul3A_2] : memref<64x8192xf32, #tpu.memory_space<hbm>> -> memref<64x256xf32, #tpu.memory_space<hbm>>
      tpu.wait_dma2 semaphore(%run_scoped3A : memref<!tpu.dma_semaphore, #tpu.memory_space<semaphore_mem>>) src(%dma_wait3A_13 : memref<64x256xf32, #tpu.memory_space<hbm>>) dst(%arg5 : memref<64x256xf32, #tpu.memory_space<vmem>>)
      tpu.yield
    }) : () -> ()
    %scan3A = arith.constant 0 : i32
    %scan3A_3 = arith.constant 0 : i32
    %scan3A_4 = arith.constant 16 : i32
    %scan3A_5 = arith.addi %scan3A_3, %scan3A_4 : i32
    %scan3A_6 = arith.constant 1 : i32
    scf.for %scan3A_8 = %scan3A_3 to %scan3A_5 step %scan3A_6  : i32 {
      %mul3A_9 = arith.constant 16 : i32
      %mul3A_10 = arith.muli %scan3A_8, %mul3A_9 : i32
      %multiple_of3A = tpu.assume_multiple %mul3A_10, 16 : i32
      %get3A = arith.constant 0 : i32
      %get3A_11 = arith.index_cast %get3A : i32 to index
      %get3A_12 = arith.index_cast %multiple_of3A : i32 to index
      %get3A_13 = tpu.vector_load %arg5[%get3A_11, %get3A_12] {strides = array<i32>} : memref<64x256xf32, #tpu.memory_space<vmem>>, vector<1x16xf32>,
      %get3A_14 = vector.shape_cast %get3A_13 : vector<1x16xf32> to vector<16xf32>
      %swap3A = arith.constant 0 : i32
      %swap3A_15 = arith.index_cast %swap3A : i32 to index
      %swap3A_16 = arith.index_cast %multiple_of3A : i32 to index
      %swap3A_17 = tpu.vector_load %arg6[%swap3A_15, %swap3A_16] {strides = array<i32>} : memref<64x256xf32, #tpu.memory_space<vmem>>, vector<1x16xf32>,
      %swap3A_18 = vector.shape_cast %swap3A_17 : vector<1x16xf32> to vector<16xf32>
      %swap3A_19 = vector.shape_cast %get3A_14 : vector<16xf32> to vector<1x16xf32>
      tpu.vector_store %arg6[%swap3A_15, %swap3A_16], %swap3A_19 {strides = array<i32>} : memref<64x256xf32, #tpu.memory_space<vmem>>, vector<1x16xf32>,
      %get3A_20 = arith.constant 1 : i32
      %get3A_21 = arith.index_cast %get3A_20 : i32 to index
      %get3A_22 = arith.index_cast %multiple_of3A : i32 to index
      %get3A_23 = tpu.vector_load %arg5[%get3A_21, %get3A_22] {strides = array<i32>} : memref<64x256xf32, #tpu.memory_space<vmem>>, vector<1x16xf32>,
      %get3A_24 = vector.shape_cast %get3A_23 : vector<1x16xf32> to vector<16xf32>
      %swap3A_25 = arith.constant 1 : i32
      %swap3A_26 = arith.index_cast %swap3A_25 : i32 to index
      %swap3A_27 = arith.index_cast %multiple_of3A : i32 to index
      %swap3A_28 = tpu.vector_load %arg6[%swap3A_26, %swap3A_27] {strides = array<i32>} : memref<64x256xf32, #tpu.memory_space<vmem>>, vector<1x16xf32>,
      %swap3A_29 = vector.shape_cast %swap3A_28 : vector<1x16xf32> to vector<16xf32>
      %swap3A_30 = vector.shape_cast %get3A_24 : vector<16xf32> to vector<1x16xf32>
      tpu.vector_store %arg6[%swap3A_26, %swap3A_27], %swap3A_30 {strides = array<i32>} : memref<64x256xf32, #tpu.memory_space<vmem>>, vector<1x16xf32>,
      %get3A_31 = arith.constant 2 : i32
      %get3A_32 = arith.index_cast %get3A_31 : i32 to index
      %get3A_33 = arith.index_cast %multiple_of3A : i32 to index
      %get3A_34 = tpu.vector_load %arg5[%get3A_32, %get3A_33] {strides = array<i32>} : memref<64x256xf32, #tpu.memory_space<vmem>>, vector<1x16xf32>,
      %get3A_35 = vector.shape_cast %get3A_34 : vector<1x16xf32> to vector<16xf32>
      %swap3A_36 = arith.constant 2 : i32
      %swap3A_37 = arith.index_cast %swap3A_36 : i32 to index
      %swap3A_38 = arith.index_cast %multiple_of3A : i32 to index
      %swap3A_39 = tpu.vector_load %arg6[%swap3A_37, %swap3A_38] {strides = array<i32>} : memref<64x256xf32, #tpu.memory_space<vmem>>, vector<1x16xf32>,
      %swap3A_40 = vector.shape_cast %swap3A_39 : vector<1x16xf32> to vector<16xf32>
      %swap3A_41 = vector.shape_cast %get3A_35 : vector<16xf32> to vector<1x16xf32>
      tpu.vector_store %arg6[%swap3A_37, %swap3A_38], %swap3A_41 {strides = array<i32>} : memref<64x256xf32, #tpu.memory_space<vmem>>, vector<1x16xf32>,
      %get3A_42 = arith.constant 3 : i32
      %get3A_43 = arith.index_cast %get3A_42 : i32 to index
      %get3A_44 = arith.index_cast %multiple_of3A : i32 to index
      %get3A_45 = tpu.vector_load %arg5[%get3A_43, %get3A_44] {strides = array<i32>} : memref<64x256xf32, #tpu.memory_space<vmem>>, vector<1x16xf32>,
      %get3A_46 = vector.shape_cast %get3A_45 : vector<1x16xf32> to vector<16xf32>
      %swap3A_47 = arith.constant 3 : i32
      %swap3A_48 = arith.index_cast %swap3A_47 : i32 to index
      %swap3A_49 = arith.index_cast %multiple_of3A : i32 to index
      %swap3A_50 = tpu.vector_load %arg6[%swap3A_48, %swap3A_49] {strides = array<i32>} : memref<64x256xf32, #tpu.memory_space<vmem>>, vector<1x16xf32>,
      %swap3A_51 = vector.shape_cast %swap3A_50 : vector<1x16xf32> to vector<16xf32>
      %swap3A_52 = vector.shape_cast %get3A_46 : vector<16xf32> to vector<1x16xf32>
      tpu.vector_store %arg6[%swap3A_48, %swap3A_49], %swap3A_52 {strides = array<i32>} : memref<64x256xf32, #tpu.memory_space<vmem>>, vector<1x16xf32>,
      %get3A_53 = arith.constant 4 : i32
      %get3A_54 = arith.index_cast %get3A_53 : i32 to index
      %get3A_55 = arith.index_cast %multiple_of3A : i32 to index
      %get3A_56 = tpu.vector_load %arg5[%get3A_54, %get3A_55] {strides = array<i32>} : memref<64x256xf32, #tpu.memory_space<vmem>>, vector<1x16xf32>,
      %get3A_57 = vector.shape_cast %get3A_56 : vector<1x16xf32> to vector<16xf32>
      %swap3A_58 = arith.constant 4 : i32
      %swap3A_59 = arith.index_cast %swap3A_58 : i32 to index
      %swap3A_60 = arith.index_cast %multiple_of3A : i32 to index
      %swap3A_61 = tpu.vector_load %arg6[%swap3A_59, %swap3A_60] {strides = array<i32>} : memref<64x256xf32, #tpu.memory_space<vmem>>, vector<1x16xf32>,
      %swap3A_62 = vector.shape_cast %swap3A_61 : vector<1x16xf32> to vector<16xf32>
      %swap3A_63 = vector.shape_cast %get3A_57 : vector<16xf32> to vector<1x16xf32>
      tpu.vector_store %arg6[%swap3A_59, %swap3A_60], %swap3A_63 {strides = array<i32>} : memref<64x256xf32, #tpu.memory_space<vmem>>, vector<1x16xf32>,
      %get3A_64 = arith.constant 5 : i32
      %get3A_65 = arith.index_cast %get3A_64 : i32 to index
      %get3A_66 = arith.index_cast %multiple_of3A : i32 to index
      %get3A_67 = tpu.vector_load %arg5[%get3A_65, %get3A_66] {strides = array<i32>} : memref<64x256xf32, #tpu.memory_space<vmem>>, vector<1x16xf32>,
      %get3A_68 = vector.shape_cast %get3A_67 : vector<1x16xf32> to vector<16xf32>
      %swap3A_69 = arith.constant 5 : i32
      %swap3A_70 = arith.index_cast %swap3A_69 : i32 to index
      %swap3A_71 = arith.index_cast %multiple_of3A : i32 to index
      %swap3A_72 = tpu.vector_load %arg6[%swap3A_70, %swap3A_71] {strides = array<i32>} : memref<64x256xf32, #tpu.memory_space<vmem>>, vector<1x16xf32>,
      %swap3A_73 = vector.shape_cast %swap3A_72 : vector<1x16xf32> to vector<16xf32>
      %swap3A_74 = vector.shape_cast %get3A_68 : vector<16xf32> to vector<1x16xf32>
      tpu.vector_store %arg6[%swap3A_70, %swap3A_71], %swap3A_74 {strides = array<i32>} : memref<64x256xf32, #tpu.memory_space<vmem>>, vector<1x16xf32>,
      %get3A_75 = arith.constant 6 : i32
      %get3A_76 = arith.index_cast %get3A_75 : i32 to index
      %get3A_77 = arith.index_cast %multiple_of3A : i32 to index
      %get3A_78 = tpu.vector_load %arg5[%get3A_76, %get3A_77] {strides = array<i32>} : memref<64x256xf32, #tpu.memory_space<vmem>>, vector<1x16xf32>,
      %get3A_79 = vector.shape_cast %get3A_78 : vector<1x16xf32> to vector<16xf32>
      %swap3A_80 = arith.constant 6 : i32
      %swap3A_81 = arith.index_cast %swap3A_80 : i32 to index
      %swap3A_82 = arith.index_cast %multiple_of3A : i32 to index
      %swap3A_83 = tpu.vector_load %arg6[%swap3A_81, %swap3A_82] {strides = array<i32>} : memref<64x256xf32, #tpu.memory_space<vmem>>, vector<1x16xf32>,
      %swap3A_84 = vector.shape_cast %swap3A_83 : vector<1x16xf32> to vector<16xf32>
      %swap3A_85 = vector.shape_cast %get3A_79 : vector<16xf32> to vector<1x16xf32>
      tpu.vector_store %arg6[%swap3A_81, %swap3A_82], %swap3A_85 {strides = array<i32>} : memref<64x256xf32, #tpu.memory_space<vmem>>, vector<1x16xf32>,
      %get3A_86 = arith.constant 7 : i32
      %get3A_87 = arith.index_cast %get3A_86 : i32 to index
      %get3A_88 = arith.index_cast %multiple_of3A : i32 to index
      %get3A_89 = tpu.vector_load %arg5[%get3A_87, %get3A_88] {strides = array<i32>} : memref<64x256xf32, #tpu.memory_space<vmem>>, vector<1x16xf32>,
      %get3A_90 = vector.shape_cast %get3A_89 : vector<1x16xf32> to vector<16xf32>
      %swap3A_91 = arith.constant 7 : i32
      %swap3A_92 = arith.index_cast %swap3A_91 : i32 to index
      %swap3A_93 = arith.index_cast %multiple_of3A : i32 to index
      %swap3A_94 = tpu.vector_load %arg6[%swap3A_92, %swap3A_93] {strides = array<i32>} : memref<64x256xf32, #tpu.memory_space<vmem>>, vector<1x16xf32>,
      %swap3A_95 = vector.shape_cast %swap3A_94 : vector<1x16xf32> to vector<16xf32>
      %swap3A_96 = vector.shape_cast %get3A_90 : vector<16xf32> to vector<1x16xf32>
      tpu.vector_store %arg6[%swap3A_92, %swap3A_93], %swap3A_96 {strides = array<i32>} : memref<64x256xf32, #tpu.memory_space<vmem>>, vector<1x16xf32>,
      %get3A_97 = arith.constant 8 : i32
      %get3A_98 = arith.index_cast %get3A_97 : i32 to index
      %get3A_99 = arith.index_cast %multiple_of3A : i32 to index
      %get3A_100 = tpu.vector_load %arg5[%get3A_98, %get3A_99] {strides = array<i32>} : memref<64x256xf32, #tpu.memory_space<vmem>>, vector<1x16xf32>,
      %get3A_101 = vector.shape_cast %get3A_100 : vector<1x16xf32> to vector<16xf32>
      %swap3A_102 = arith.constant 8 : i32
      %swap3A_103 = arith.index_cast %swap3A_102 : i32 to index
      %swap3A_104 = arith.index_cast %multiple_of3A : i32 to index
      %swap3A_105 = tpu.vector_load %arg6[%swap3A_103, %swap3A_104] {strides = array<i32>} : memref<64x256xf32, #tpu.memory_space<vmem>>, vector<1x16xf32>,
      %swap3A_106 = vector.shape_cast %swap3A_105 : vector<1x16xf32> to vector<16xf32>
      %swap3A_107 = vector.shape_cast %get3A_101 : vector<16xf32> to vector<1x16xf32>
      tpu.vector_store %arg6[%swap3A_103, %swap3A_104], %swap3A_107 {strides = array<i32>} : memref<64x256xf32, #tpu.memory_space<vmem>>, vector<1x16xf32>,
      %get3A_108 = arith.constant 9 : i32
      %get3A_109 = arith.index_cast %get3A_108 : i32 to index
      %get3A_110 = arith.index_cast %multiple_of3A : i32 to index
      %get3A_111 = tpu.vector_load %arg5[%get3A_109, %get3A_110] {strides = array<i32>} : memref<64x256xf32, #tpu.memory_space<vmem>>, vector<1x16xf32>,
      %get3A_112 = vector.shape_cast %get3A_111 : vector<1x16xf32> to vector<16xf32>
      %swap3A_113 = arith.constant 9 : i32
      %swap3A_114 = arith.index_cast %swap3A_113 : i32 to index
      %swap3A_115 = arith.index_cast %multiple_of3A : i32 to index
      %swap3A_116 = tpu.vector_load %arg6[%swap3A_114, %swap3A_115] {strides = array<i32>} : memref<64x256xf32, #tpu.memory_space<vmem>>, vector<1x16xf32>,
      %swap3A_117 = vector.shape_cast %swap3A_116 : vector<1x16xf32> to vector<16xf32>
      %swap3A_118 = vector.shape_cast %get3A_112 : vector<16xf32> to vector<1x16xf32>
      tpu.vector_store %arg6[%swap3A_114, %swap3A_115], %swap3A_118 {strides = array<i32>} : memref<64x256xf32, #tpu.memory_space<vmem>>, vector<1x16xf32>,
      %get3A_119 = arith.constant 10 : i32
      %get3A_120 = arith.index_cast %get3A_119 : i32 to index
      %get3A_121 = arith.index_cast %multiple_of3A : i32 to index
      %get3A_122 = tpu.vector_load %arg5[%get3A_120, %get3A_121] {strides = array<i32>} : memref<64x256xf32, #tpu.memory_space<vmem>>, vector<1x16xf32>,
      %get3A_123 = vector.shape_cast %get3A_122 : vector<1x16xf32> to vector<16xf32>
      %swap3A_124 = arith.constant 10 : i32
      %swap3A_125 = arith.index_cast %swap3A_124 : i32 to index
      %swap3A_126 = arith.index_cast %multiple_of3A : i32 to index
      %swap3A_127 = tpu.vector_load %arg6[%swap3A_125, %swap3A_126] {strides = array<i32>} : memref<64x256xf32, #tpu.memory_space<vmem>>, vector<1x16xf32>,
      %swap3A_128 = vector.shape_cast %swap3A_127 : vector<1x16xf32> to vector<16xf32>
      %swap3A_129 = vector.shape_cast %get3A_123 : vector<16xf32> to vector<1x16xf32>
      tpu.vector_store %arg6[%swap3A_125, %swap3A_126], %swap3A_129 {strides = array<i32>} : memref<64x256xf32, #tpu.memory_space<vmem>>, vector<1x16xf32>,
      %get3A_130 = arith.constant 11 : i32
      %get3A_131 = arith.index_cast %get3A_130 : i32 to index
      %get3A_132 = arith.index_cast %multiple_of3A : i32 to index
      %get3A_133 = tpu.vector_load %arg5[%get3A_131, %get3A_132] {strides = array<i32>} : memref<64x256xf32, #tpu.memory_space<vmem>>, vector<1x16xf32>,
      %get3A_134 = vector.shape_cast %get3A_133 : vector<1x16xf32> to vector<16xf32>
      %swap3A_135 = arith.constant 11 : i32
      %swap3A_136 = arith.index_cast %swap3A_135 : i32 to index
      %swap3A_137 = arith.index_cast %multiple_of3A : i32 to index
      %swap3A_138 = tpu.vector_load %arg6[%swap3A_136, %swap3A_137] {strides = array<i32>} : memref<64x256xf32, #tpu.memory_space<vmem>>, vector<1x16xf32>,
      %swap3A_139 = vector.shape_cast %swap3A_138 : vector<1x16xf32> to vector<16xf32>
      %swap3A_140 = vector.shape_cast %get3A_134 : vector<16xf32> to vector<1x16xf32>
      tpu.vector_store %arg6[%swap3A_136, %swap3A_137], %swap3A_140 {strides = array<i32>} : memref<64x256xf32, #tpu.memory_space<vmem>>, vector<1x16xf32>,
      %get3A_141 = arith.constant 12 : i32
      %get3A_142 = arith.index_cast %get3A_141 : i32 to index
      %get3A_143 = arith.index_cast %multiple_of3A : i32 to index
      %get3A_144 = tpu.vector_load %arg5[%get3A_142, %get3A_143] {strides = array<i32>} : memref<64x256xf32, #tpu.memory_space<vmem>>, vector<1x16xf32>,
      %get3A_145 = vector.shape_cast %get3A_144 : vector<1x16xf32> to vector<16xf32>
      %swap3A_146 = arith.constant 12 : i32
      %swap3A_147 = arith.index_cast %swap3A_146 : i32 to index
      %swap3A_148 = arith.index_cast %multiple_of3A : i32 to index
      %swap3A_149 = tpu.vector_load %arg6[%swap3A_147, %swap3A_148] {strides = array<i32>} : memref<64x256xf32, #tpu.memory_space<vmem>>, vector<1x16xf32>,
      %swap3A_150 = vector.shape_cast %swap3A_149 : vector<1x16xf32> to vector<16xf32>
      %swap3A_151 = vector.shape_cast %get3A_145 : vector<16xf32> to vector<1x16xf32>
      tpu.vector_store %arg6[%swap3A_147, %swap3A_148], %swap3A_151 {strides = array<i32>} : memref<64x256xf32, #tpu.memory_space<vmem>>, vector<1x16xf32>,
      %get3A_152 = arith.constant 13 : i32
      %get3A_153 = arith.index_cast %get3A_152 : i32 to index
      %get3A_154 = arith.index_cast %multiple_of3A : i32 to index
      %get3A_155 = tpu.vector_load %arg5[%get3A_153, %get3A_154] {strides = array<i32>} : memref<64x256xf32, #tpu.memory_space<vmem>>, vector<1x16xf32>,
      %get3A_156 = vector.shape_cast %get3A_155 : vector<1x16xf32> to vector<16xf32>
      %swap3A_157 = arith.constant 13 : i32
      %swap3A_158 = arith.index_cast %swap3A_157 : i32 to index
      %swap3A_159 = arith.index_cast %multiple_of3A : i32 to index
      %swap3A_160 = tpu.vector_load %arg6[%swap3A_158, %swap3A_159] {strides = array<i32>} : memref<64x256xf32, #tpu.memory_space<vmem>>, vector<1x16xf32>,
      %swap3A_161 = vector.shape_cast %swap3A_160 : vector<1x16xf32> to vector<16xf32>
      %swap3A_162 = vector.shape_cast %get3A_156 : vector<16xf32> to vector<1x16xf32>
      tpu.vector_store %arg6[%swap3A_158, %swap3A_159], %swap3A_162 {strides = array<i32>} : memref<64x256xf32, #tpu.memory_space<vmem>>, vector<1x16xf32>,
      %get3A_163 = arith.constant 14 : i32
      %get3A_164 = arith.index_cast %get3A_163 : i32 to index
      %get3A_165 = arith.index_cast %multiple_of3A : i32 to index
      %get3A_166 = tpu.vector_load %arg5[%get3A_164, %get3A_165] {strides = array<i32>} : memref<64x256xf32, #tpu.memory_space<vmem>>, vector<1x16xf32>,
      %get3A_167 = vector.shape_cast %get3A_166 : vector<1x16xf32> to vector<16xf32>
      %swap3A_168 = arith.constant 14 : i32
      %swap3A_169 = arith.index_cast %swap3A_168 : i32 to index
      %swap3A_170 = arith.index_cast %multiple_of3A : i32 to index
      %swap3A_171 = tpu.vector_load %arg6[%swap3A_169, %swap3A_170] {strides = array<i32>} : memref<64x256xf32, #tpu.memory_space<vmem>>, vector<1x16xf32>,
      %swap3A_172 = vector.shape_cast %swap3A_171 : vector<1x16xf32> to vector<16xf32>
      %swap3A_173 = vector.shape_cast %get3A_167 : vector<16xf32> to vector<1x16xf32>
      tpu.vector_store %arg6[%swap3A_169, %swap3A_170], %swap3A_173 {strides = array<i32>} : memref<64x256xf32, #tpu.memory_space<vmem>>, vector<1x16xf32>,
      %get3A_174 = arith.constant 15 : i32
      %get3A_175 = arith.index_cast %get3A_174 : i32 to index
      %get3A_176 = arith.index_cast %multiple_of3A : i32 to index
      %get3A_177 = tpu.vector_load %arg5[%get3A_175, %get3A_176] {strides = array<i32>} : memref<64x256xf32, #tpu.memory_space<vmem>>, vector<1x16xf32>,
      %get3A_178 = vector.shape_cast %get3A_177 : vector<1x16xf32> to vector<16xf32>
      %swap3A_179 = arith.constant 15 : i32
      %swap3A_180 = arith.index_cast %swap3A_179 : i32 to index
      %swap3A_181 = arith.index_cast %multiple_of3A : i32 to index
      %swap3A_182 = tpu.vector_load %arg6[%swap3A_180, %swap3A_181] {strides = array<i32>} : memref<64x256xf32, #tpu.memory_space<vmem>>, vector<1x16xf32>,
      %swap3A_183 = vector.shape_cast %swap3A_182 : vector<1x16xf32> to vector<16xf32>
      %swap3A_184 = vector.shape_cast %get3A_178 : vector<16xf32> to vector<1x16xf32>
      tpu.vector_store %arg6[%swap3A_180, %swap3A_181], %swap3A_184 {strides = array<i32>} : memref<64x256xf32, #tpu.memory_space<vmem>>, vector<1x16xf32>,
      %get3A_185 = arith.constant 16 : i32
      %get3A_186 = arith.index_cast %get3A_185 : i32 to index
      %get3A_187 = arith.index_cast %multiple_of3A : i32 to index
      %get3A_188 = tpu.vector_load %arg5[%get3A_186, %get3A_187] {strides = array<i32>} : memref<64x256xf32, #tpu.memory_space<vmem>>, vector<1x16xf32>,
      %get3A_189 = vector.shape_cast %get3A_188 : vector<1x16xf32> to vector<16xf32>
      %swap3A_190 = arith.constant 16 : i32
      %swap3A_191 = arith.index_cast %swap3A_190 : i32 to index
      %swap3A_192 = arith.index_cast %multiple_of3A : i32 to index
      %swap3A_193 = tpu.vector_load %arg6[%swap3A_191, %swap3A_192] {strides = array<i32>} : memref<64x256xf32, #tpu.memory_space<vmem>>, vector<1x16xf32>,
      %swap3A_194 = vector.shape_cast %swap3A_193 : vector<1x16xf32> to vector<16xf32>
      %swap3A_195 = vector.shape_cast %get3A_189 : vector<16xf32> to vector<1x16xf32>
      tpu.vector_store %arg6[%swap3A_191, %swap3A_192], %swap3A_195 {strides = array<i32>} : memref<64x256xf32, #tpu.memory_space<vmem>>, vector<1x16xf32>,
      %get3A_196 = arith.constant 17 : i32
      %get3A_197 = arith.index_cast %get3A_196 : i32 to index
      %get3A_198 = arith.index_cast %multiple_of3A : i32 to index
      %get3A_199 = tpu.vector_load %arg5[%get3A_197, %get3A_198] {strides = array<i32>} : memref<64x256xf32, #tpu.memory_space<vmem>>, vector<1x16xf32>,
      %get3A_200 = vector.shape_cast %get3A_199 : vector<1x16xf32> to vector<16xf32>
      %swap3A_201 = arith.constant 17 : i32
      %swap3A_202 = arith.index_cast %swap3A_201 : i32 to index
      %swap3A_203 = arith.index_cast %multiple_of3A : i32 to index
      %swap3A_204 = tpu.vector_load %arg6[%swap3A_202, %swap3A_203] {strides = array<i32>} : memref<64x256xf32, #tpu.memory_space<vmem>>, vector<1x16xf32>,
      %swap3A_205 = vector.shape_cast %swap3A_204 : vector<1x16xf32> to vector<16xf32>
      %swap3A_206 = vector.shape_cast %get3A_200 : vector<16xf32> to vector<1x16xf32>
      tpu.vector_store %arg6[%swap3A_202, %swap3A_203], %swap3A_206 {strides = array<i32>} : memref<64x256xf32, #tpu.memory_space<vmem>>, vector<1x16xf32>,
      %get3A_207 = arith.constant 18 : i32
      %get3A_208 = arith.index_cast %get3A_207 : i32 to index
      %get3A_209 = arith.index_cast %multiple_of3A : i32 to index
      %get3A_210 = tpu.vector_load %arg5[%get3A_208, %get3A_209] {strides = array<i32>} : memref<64x256xf32, #tpu.memory_space<vmem>>, vector<1x16xf32>,
      %get3A_211 = vector.shape_cast %get3A_210 : vector<1x16xf32> to vector<16xf32>
      %swap3A_212 = arith.constant 18 : i32
      %swap3A_213 = arith.index_cast %swap3A_212 : i32 to index
      %swap3A_214 = arith.index_cast %multiple_of3A : i32 to index
      %swap3A_215 = tpu.vector_load %arg6[%swap3A_213, %swap3A_214] {strides = array<i32>} : memref<64x256xf32, #tpu.memory_space<vmem>>, vector<1x16xf32>,
      %swap3A_216 = vector.shape_cast %swap3A_215 : vector<1x16xf32> to vector<16xf32>
      %swap3A_217 = vector.shape_cast %get3A_211 : vector<16xf32> to vector<1x16xf32>
      tpu.vector_store %arg6[%swap3A_213, %swap3A_214], %swap3A_217 {strides = array<i32>} : memref<64x256xf32, #tpu.memory_space<vmem>>, vector<1x16xf32>,
      %get3A_218 = arith.constant 19 : i32
      %get3A_219 = arith.index_cast %get3A_218 : i32 to index
      %get3A_220 = arith.index_cast %multiple_of3A : i32 to index
      %get3A_221 = tpu.vector_load %arg5[%get3A_219, %get3A_220] {strides = array<i32>} : memref<64x256xf32, #tpu.memory_space<vmem>>, vector<1x16xf32>,
      %get3A_222 = vector.shape_cast %get3A_221 : vector<1x16xf32> to vector<16xf32>
      %swap3A_223 = arith.constant 19 : i32
      %swap3A_224 = arith.index_cast %swap3A_223 : i32 to index
      %swap3A_225 = arith.index_cast %multiple_of3A : i32 to index
      %swap3A_226 = tpu.vector_load %arg6[%swap3A_224, %swap3A_225] {strides = array<i32>} : memref<64x256xf32, #tpu.memory_space<vmem>>, vector<1x16xf32>,
      %swap3A_227 = vector.shape_cast %swap3A_226 : vector<1x16xf32> to vector<16xf32>
      %swap3A_228 = vector.shape_cast %get3A_222 : vector<16xf32> to vector<1x16xf32>
      tpu.vector_store %arg6[%swap3A_224, %swap3A_225], %swap3A_228 {strides = array<i32>} : memref<64x256xf32, #tpu.memory_space<vmem>>, vector<1x16xf32>,
      %get3A_229 = arith.constant 20 : i32
      %get3A_230 = arith.index_cast %get3A_229 : i32 to index
      %get3A_231 = arith.index_cast %multiple_of3A : i32 to index
      %get3A_232 = tpu.vector_load %arg5[%get3A_230, %get3A_231] {strides = array<i32>} : memref<64x256xf32, #tpu.memory_space<vmem>>, vector<1x16xf32>,
      %get3A_233 = vector.shape_cast %get3A_232 : vector<1x16xf32> to vector<16xf32>
      %swap3A_234 = arith.constant 20 : i32
      %swap3A_235 = arith.index_cast %swap3A_234 : i32 to index
      %swap3A_236 = arith.index_cast %multiple_of3A : i32 to index
      %swap3A_237 = tpu.vector_load %arg6[%swap3A_235, %swap3A_236] {strides = array<i32>} : memref<64x256xf32, #tpu.memory_space<vmem>>, vector<1x16xf32>,
      %swap3A_238 = vector.shape_cast %swap3A_237 : vector<1x16xf32> to vector<16xf32>
      %swap3A_239 = vector.shape_cast %get3A_233 : vector<16xf32> to vector<1x16xf32>
      tpu.vector_store %arg6[%swap3A_235, %swap3A_236], %swap3A_239 {strides = array<i32>} : memref<64x256xf32, #tpu.memory_space<vmem>>, vector<1x16xf32>,
      %get3A_240 = arith.constant 21 : i32
      %get3A_241 = arith.index_cast %get3A_240 : i32 to index
      %get3A_242 = arith.index_cast %multiple_of3A : i32 to index
      %get3A_243 = tpu.vector_load %arg5[%get3A_241, %get3A_242] {strides = array<i32>} : memref<64x256xf32, #tpu.memory_space<vmem>>, vector<1x16xf32>,
      %get3A_244 = vector.shape_cast %get3A_243 : vector<1x16xf32> to vector<16xf32>
      %swap3A_245 = arith.constant 21 : i32
      %swap3A_246 = arith.index_cast %swap3A_245 : i32 to index
      %swap3A_247 = arith.index_cast %multiple_of3A : i32 to index
      %swap3A_248 = tpu.vector_load %arg6[%swap3A_246, %swap3A_247] {strides = array<i32>} : memref<64x256xf32, #tpu.memory_space<vmem>>, vector<1x16xf32>,
      %swap3A_249 = vector.shape_cast %swap3A_248 : vector<1x16xf32> to vector<16xf32>
      %swap3A_250 = vector.shape_cast %get3A_244 : vector<16xf32> to vector<1x16xf32>
      tpu.vector_store %arg6[%swap3A_246, %swap3A_247], %swap3A_250 {strides = array<i32>} : memref<64x256xf32, #tpu.memory_space<vmem>>, vector<1x16xf32>,
      %get3A_251 = arith.constant 22 : i32
      %get3A_252 = arith.index_cast %get3A_251 : i32 to index
      %get3A_253 = arith.index_cast %multiple_of3A : i32 to index
      %get3A_254 = tpu.vector_load %arg5[%get3A_252, %get3A_253] {strides = array<i32>} : memref<64x256xf32, #tpu.memory_space<vmem>>, vector<1x16xf32>,
      %get3A_255 = vector.shape_cast %get3A_254 : vector<1x16xf32> to vector<16xf32>
      %swap3A_256 = arith.constant 22 : i32
      %swap3A_257 = arith.index_cast %swap3A_256 : i32 to index
      %swap3A_258 = arith.index_cast %multiple_of3A : i32 to index
      %swap3A_259 = tpu.vector_load %arg6[%swap3A_257, %swap3A_258] {strides = array<i32>} : memref<64x256xf32, #tpu.memory_space<vmem>>, vector<1x16xf32>,
      %swap3A_260 = vector.shape_cast %swap3A_259 : vector<1x16xf32> to vector<16xf32>
      %swap3A_261 = vector.shape_cast %get3A_255 : vector<16xf32> to vector<1x16xf32>
      tpu.vector_store %arg6[%swap3A_257, %swap3A_258], %swap3A_261 {strides = array<i32>} : memref<64x256xf32, #tpu.memory_space<vmem>>, vector<1x16xf32>,
      %get3A_262 = arith.constant 23 : i32
      %get3A_263 = arith.index_cast %get3A_262 : i32 to index
      %get3A_264 = arith.index_cast %multiple_of3A : i32 to index
      %get3A_265 = tpu.vector_load %arg5[%get3A_263, %get3A_264] {strides = array<i32>} : memref<64x256xf32, #tpu.memory_space<vmem>>, vector<1x16xf32>,
      %get3A_266 = vector.shape_cast %get3A_265 : vector<1x16xf32> to vector<16xf32>
      %swap3A_267 = arith.constant 23 : i32
      %swap3A_268 = arith.index_cast %swap3A_267 : i32 to index
      %swap3A_269 = arith.index_cast %multiple_of3A : i32 to index
      %swap3A_270 = tpu.vector_load %arg6[%swap3A_268, %swap3A_269] {strides = array<i32>} : memref<64x256xf32, #tpu.memory_space<vmem>>, vector<1x16xf32>,
      %swap3A_271 = vector.shape_cast %swap3A_270 : vector<1x16xf32> to vector<16xf32>
      %swap3A_272 = vector.shape_cast %get3A_266 : vector<16xf32> to vector<1x16xf32>
      tpu.vector_store %arg6[%swap3A_268, %swap3A_269], %swap3A_272 {strides = array<i32>} : memref<64x256xf32, #tpu.memory_space<vmem>>, vector<1x16xf32>,
      %get3A_273 = arith.constant 24 : i32
      %get3A_274 = arith.index_cast %get3A_273 : i32 to index
      %get3A_275 = arith.index_cast %multiple_of3A : i32 to index
      %get3A_276 = tpu.vector_load %arg5[%get3A_274, %get3A_275] {strides = array<i32>} : memref<64x256xf32, #tpu.memory_space<vmem>>, vector<1x16xf32>,
      %get3A_277 = vector.shape_cast %get3A_276 : vector<1x16xf32> to vector<16xf32>
      %swap3A_278 = arith.constant 24 : i32
      %swap3A_279 = arith.index_cast %swap3A_278 : i32 to index
      %swap3A_280 = arith.index_cast %multiple_of3A : i32 to index
      %swap3A_281 = tpu.vector_load %arg6[%swap3A_279, %swap3A_280] {strides = array<i32>} : memref<64x256xf32, #tpu.memory_space<vmem>>, vector<1x16xf32>,
      %swap3A_282 = vector.shape_cast %swap3A_281 : vector<1x16xf32> to vector<16xf32>
      %swap3A_283 = vector.shape_cast %get3A_277 : vector<16xf32> to vector<1x16xf32>
      tpu.vector_store %arg6[%swap3A_279, %swap3A_280], %swap3A_283 {strides = array<i32>} : memref<64x256xf32, #tpu.memory_space<vmem>>, vector<1x16xf32>,
      %get3A_284 = arith.constant 25 : i32
      %get3A_285 = arith.index_cast %get3A_284 : i32 to index
      %get3A_286 = arith.index_cast %multiple_of3A : i32 to index
      %get3A_287 = tpu.vector_load %arg5[%get3A_285, %get3A_286] {strides = array<i32>} : memref<64x256xf32, #tpu.memory_space<vmem>>, vector<1x16xf32>,
      %get3A_288 = vector.shape_cast %get3A_287 : vector<1x16xf32> to vector<16xf32>
      %swap3A_289 = arith.constant 25 : i32
      %swap3A_290 = arith.index_cast %swap3A_289 : i32 to index
      %swap3A_291 = arith.index_cast %multiple_of3A : i32 to index
      %swap3A_292 = tpu.vector_load %arg6[%swap3A_290, %swap3A_291] {strides = array<i32>} : memref<64x256xf32, #tpu.memory_space<vmem>>, vector<1x16xf32>,
      %swap3A_293 = vector.shape_cast %swap3A_292 : vector<1x16xf32> to vector<16xf32>
      %swap3A_294 = vector.shape_cast %get3A_288 : vector<16xf32> to vector<1x16xf32>
      tpu.vector_store %arg6[%swap3A_290, %swap3A_291], %swap3A_294 {strides = array<i32>} : memref<64x256xf32, #tpu.memory_space<vmem>>, vector<1x16xf32>,
      %get3A_295 = arith.constant 26 : i32
      %get3A_296 = arith.index_cast %get3A_295 : i32 to index
      %get3A_297 = arith.index_cast %multiple_of3A : i32 to index
      %get3A_298 = tpu.vector_load %arg5[%get3A_296, %get3A_297] {strides = array<i32>} : memref<64x256xf32, #tpu.memory_space<vmem>>, vector<1x16xf32>,
      %get3A_299 = vector.shape_cast %get3A_298 : vector<1x16xf32> to vector<16xf32>
      %swap3A_300 = arith.constant 26 : i32
      %swap3A_301 = arith.index_cast %swap3A_300 : i32 to index
      %swap3A_302 = arith.index_cast %multiple_of3A : i32 to index
      %swap3A_303 = tpu.vector_load %arg6[%swap3A_301, %swap3A_302] {strides = array<i32>} : memref<64x256xf32, #tpu.memory_space<vmem>>, vector<1x16xf32>,
      %swap3A_304 = vector.shape_cast %swap3A_303 : vector<1x16xf32> to vector<16xf32>
      %swap3A_305 = vector.shape_cast %get3A_299 : vector<16xf32> to vector<1x16xf32>
      tpu.vector_store %arg6[%swap3A_301, %swap3A_302], %swap3A_305 {strides = array<i32>} : memref<64x256xf32, #tpu.memory_space<vmem>>, vector<1x16xf32>,
      %get3A_306 = arith.constant 27 : i32
      %get3A_307 = arith.index_cast %get3A_306 : i32 to index
      %get3A_308 = arith.index_cast %multiple_of3A : i32 to index
      %get3A_309 = tpu.vector_load %arg5[%get3A_307, %get3A_308] {strides = array<i32>} : memref<64x256xf32, #tpu.memory_space<vmem>>, vector<1x16xf32>,
      %get3A_310 = vector.shape_cast %get3A_309 : vector<1x16xf32> to vector<16xf32>
      %swap3A_311 = arith.constant 27 : i32
      %swap3A_312 = arith.index_cast %swap3A_311 : i32 to index
      %swap3A_313 = arith.index_cast %multiple_of3A : i32 to index
      %swap3A_314 = tpu.vector_load %arg6[%swap3A_312, %swap3A_313] {strides = array<i32>} : memref<64x256xf32, #tpu.memory_space<vmem>>, vector<1x16xf32>,
      %swap3A_315 = vector.shape_cast %swap3A_314 : vector<1x16xf32> to vector<16xf32>
      %swap3A_316 = vector.shape_cast %get3A_310 : vector<16xf32> to vector<1x16xf32>
      tpu.vector_store %arg6[%swap3A_312, %swap3A_313], %swap3A_316 {strides = array<i32>} : memref<64x256xf32, #tpu.memory_space<vmem>>, vector<1x16xf32>,
      %get3A_317 = arith.constant 28 : i32
      %get3A_318 = arith.index_cast %get3A_317 : i32 to index
      %get3A_319 = arith.index_cast %multiple_of3A : i32 to index
      %get3A_320 = tpu.vector_load %arg5[%get3A_318, %get3A_319] {strides = array<i32>} : memref<64x256xf32, #tpu.memory_space<vmem>>, vector<1x16xf32>,
      %get3A_321 = vector.shape_cast %get3A_320 : vector<1x16xf32> to vector<16xf32>
      %swap3A_322 = arith.constant 28 : i32
      %swap3A_323 = arith.index_cast %swap3A_322 : i32 to index
      %swap3A_324 = arith.index_cast %multiple_of3A : i32 to index
      %swap3A_325 = tpu.vector_load %arg6[%swap3A_323, %swap3A_324] {strides = array<i32>} : memref<64x256xf32, #tpu.memory_space<vmem>>, vector<1x16xf32>,
      %swap3A_326 = vector.shape_cast %swap3A_325 : vector<1x16xf32> to vector<16xf32>
      %swap3A_327 = vector.shape_cast %get3A_321 : vector<16xf32> to vector<1x16xf32>
      tpu.vector_store %arg6[%swap3A_323, %swap3A_324], %swap3A_327 {strides = array<i32>} : memref<64x256xf32, #tpu.memory_space<vmem>>, vector<1x16xf32>,
      %get3A_328 = arith.constant 29 : i32
      %get3A_329 = arith.index_cast %get3A_328 : i32 to index
      %get3A_330 = arith.index_cast %multiple_of3A : i32 to index
      %get3A_331 = tpu.vector_load %arg5[%get3A_329, %get3A_330] {strides = array<i32>} : memref<64x256xf32, #tpu.memory_space<vmem>>, vector<1x16xf32>,
      %get3A_332 = vector.shape_cast %get3A_331 : vector<1x16xf32> to vector<16xf32>
      %swap3A_333 = arith.constant 29 : i32
      %swap3A_334 = arith.index_cast %swap3A_333 : i32 to index
      %swap3A_335 = arith.index_cast %multiple_of3A : i32 to index
      %swap3A_336 = tpu.vector_load %arg6[%swap3A_334, %swap3A_335] {strides = array<i32>} : memref<64x256xf32, #tpu.memory_space<vmem>>, vector<1x16xf32>,
      %swap3A_337 = vector.shape_cast %swap3A_336 : vector<1x16xf32> to vector<16xf32>
      %swap3A_338 = vector.shape_cast %get3A_332 : vector<16xf32> to vector<1x16xf32>
      tpu.vector_store %arg6[%swap3A_334, %swap3A_335], %swap3A_338 {strides = array<i32>} : memref<64x256xf32, #tpu.memory_space<vmem>>, vector<1x16xf32>,
      %get3A_339 = arith.constant 30 : i32
      %get3A_340 = arith.index_cast %get3A_339 : i32 to index
      %get3A_341 = arith.index_cast %multiple_of3A : i32 to index
      %get3A_342 = tpu.vector_load %arg5[%get3A_340, %get3A_341] {strides = array<i32>} : memref<64x256xf32, #tpu.memory_space<vmem>>, vector<1x16xf32>,
      %get3A_343 = vector.shape_cast %get3A_342 : vector<1x16xf32> to vector<16xf32>
      %swap3A_344 = arith.constant 30 : i32
      %swap3A_345 = arith.index_cast %swap3A_344 : i32 to index
      %swap3A_346 = arith.index_cast %multiple_of3A : i32 to index
      %swap3A_347 = tpu.vector_load %arg6[%swap3A_345, %swap3A_346] {strides = array<i32>} : memref<64x256xf32, #tpu.memory_space<vmem>>, vector<1x16xf32>,
      %swap3A_348 = vector.shape_cast %swap3A_347 : vector<1x16xf32> to vector<16xf32>
      %swap3A_349 = vector.shape_cast %get3A_343 : vector<16xf32> to vector<1x16xf32>
      tpu.vector_store %arg6[%swap3A_345, %swap3A_346], %swap3A_349 {strides = array<i32>} : memref<64x256xf32, #tpu.memory_space<vmem>>, vector<1x16xf32>,
      %get3A_350 = arith.constant 31 : i32
      %get3A_351 = arith.index_cast %get3A_350 : i32 to index
      %get3A_352 = arith.index_cast %multiple_of3A : i32 to index
      %get3A_353 = tpu.vector_load %arg5[%get3A_351, %get3A_352] {strides = array<i32>} : memref<64x256xf32, #tpu.memory_space<vmem>>, vector<1x16xf32>,
      %get3A_354 = vector.shape_cast %get3A_353 : vector<1x16xf32> to vector<16xf32>
      %swap3A_355 = arith.constant 31 : i32
      %swap3A_356 = arith.index_cast %swap3A_355 : i32 to index
      %swap3A_357 = arith.index_cast %multiple_of3A : i32 to index
      %swap3A_358 = tpu.vector_load %arg6[%swap3A_356, %swap3A_357] {strides = array<i32>} : memref<64x256xf32, #tpu.memory_space<vmem>>, vector<1x16xf32>,
      %swap3A_359 = vector.shape_cast %swap3A_358 : vector<1x16xf32> to vector<16xf32>
      %swap3A_360 = vector.shape_cast %get3A_354 : vector<16xf32> to vector<1x16xf32>
      tpu.vector_store %arg6[%swap3A_356, %swap3A_357], %swap3A_360 {strides = array<i32>} : memref<64x256xf32, #tpu.memory_space<vmem>>, vector<1x16xf32>,
      %get3A_361 = arith.constant 32 : i32
      %get3A_362 = arith.index_cast %get3A_361 : i32 to index
      %get3A_363 = arith.index_cast %multiple_of3A : i32 to index
      %get3A_364 = tpu.vector_load %arg5[%get3A_362, %get3A_363] {strides = array<i32>} : memref<64x256xf32, #tpu.memory_space<vmem>>, vector<1x16xf32>,
      %get3A_365 = vector.shape_cast %get3A_364 : vector<1x16xf32> to vector<16xf32>
      %swap3A_366 = arith.constant 32 : i32
      %swap3A_367 = arith.index_cast %swap3A_366 : i32 to index
      %swap3A_368 = arith.index_cast %multiple_of3A : i32 to index
      %swap3A_369 = tpu.vector_load %arg6[%swap3A_367, %swap3A_368] {strides = array<i32>} : memref<64x256xf32, #tpu.memory_space<vmem>>, vector<1x16xf32>,
      %swap3A_370 = vector.shape_cast %swap3A_369 : vector<1x16xf32> to vector<16xf32>
      %swap3A_371 = vector.shape_cast %get3A_365 : vector<16xf32> to vector<1x16xf32>
      tpu.vector_store %arg6[%swap3A_367, %swap3A_368], %swap3A_371 {strides = array<i32>} : memref<64x256xf32, #tpu.memory_space<vmem>>, vector<1x16xf32>,
      %get3A_372 = arith.constant 33 : i32
      %get3A_373 = arith.index_cast %get3A_372 : i32 to index
      %get3A_374 = arith.index_cast %multiple_of3A : i32 to index
      %get3A_375 = tpu.vector_load %arg5[%get3A_373, %get3A_374] {strides = array<i32>} : memref<64x256xf32, #tpu.memory_space<vmem>>, vector<1x16xf32>,
      %get3A_376 = vector.shape_cast %get3A_375 : vector<1x16xf32> to vector<16xf32>
      %swap3A_377 = arith.constant 33 : i32
      %swap3A_378 = arith.index_cast %swap3A_377 : i32 to index
      %swap3A_379 = arith.index_cast %multiple_of3A : i32 to index
      %swap3A_380 = tpu.vector_load %arg6[%swap3A_378, %swap3A_379] {strides = array<i32>} : memref<64x256xf32, #tpu.memory_space<vmem>>, vector<1x16xf32>,
      %swap3A_381 = vector.shape_cast %swap3A_380 : vector<1x16xf32> to vector<16xf32>
      %swap3A_382 = vector.shape_cast %get3A_376 : vector<16xf32> to vector<1x16xf32>
      tpu.vector_store %arg6[%swap3A_378, %swap3A_379], %swap3A_382 {strides = array<i32>} : memref<64x256xf32, #tpu.memory_space<vmem>>, vector<1x16xf32>,
      %get3A_383 = arith.constant 34 : i32
      %get3A_384 = arith.index_cast %get3A_383 : i32 to index
      %get3A_385 = arith.index_cast %multiple_of3A : i32 to index
      %get3A_386 = tpu.vector_load %arg5[%get3A_384, %get3A_385] {strides = array<i32>} : memref<64x256xf32, #tpu.memory_space<vmem>>, vector<1x16xf32>,
      %get3A_387 = vector.shape_cast %get3A_386 : vector<1x16xf32> to vector<16xf32>
      %swap3A_388 = arith.constant 34 : i32
      %swap3A_389 = arith.index_cast %swap3A_388 : i32 to index
      %swap3A_390 = arith.index_cast %multiple_of3A : i32 to index
      %swap3A_391 = tpu.vector_load %arg6[%swap3A_389, %swap3A_390] {strides = array<i32>} : memref<64x256xf32, #tpu.memory_space<vmem>>, vector<1x16xf32>,
      %swap3A_392 = vector.shape_cast %swap3A_391 : vector<1x16xf32> to vector<16xf32>
      %swap3A_393 = vector.shape_cast %get3A_387 : vector<16xf32> to vector<1x16xf32>
      tpu.vector_store %arg6[%swap3A_389, %swap3A_390], %swap3A_393 {strides = array<i32>} : memref<64x256xf32, #tpu.memory_space<vmem>>, vector<1x16xf32>,
      %get3A_394 = arith.constant 35 : i32
      %get3A_395 = arith.index_cast %get3A_394 : i32 to index
      %get3A_396 = arith.index_cast %multiple_of3A : i32 to index
      %get3A_397 = tpu.vector_load %arg5[%get3A_395, %get3A_396] {strides = array<i32>} : memref<64x256xf32, #tpu.memory_space<vmem>>, vector<1x16xf32>,
      %get3A_398 = vector.shape_cast %get3A_397 : vector<1x16xf32> to vector<16xf32>
      %swap3A_399 = arith.constant 35 : i32
      %swap3A_400 = arith.index_cast %swap3A_399 : i32 to index
      %swap3A_401 = arith.index_cast %multiple_of3A : i32 to index
      %swap3A_402 = tpu.vector_load %arg6[%swap3A_400, %swap3A_401] {strides = array<i32>} : memref<64x256xf32, #tpu.memory_space<vmem>>, vector<1x16xf32>,
      %swap3A_403 = vector.shape_cast %swap3A_402 : vector<1x16xf32> to vector<16xf32>
      %swap3A_404 = vector.shape_cast %get3A_398 : vector<16xf32> to vector<1x16xf32>
      tpu.vector_store %arg6[%swap3A_400, %swap3A_401], %swap3A_404 {strides = array<i32>} : memref<64x256xf32, #tpu.memory_space<vmem>>, vector<1x16xf32>,
      %get3A_405 = arith.constant 36 : i32
      %get3A_406 = arith.index_cast %get3A_405 : i32 to index
      %get3A_407 = arith.index_cast %multiple_of3A : i32 to index
      %get3A_408 = tpu.vector_load %arg5[%get3A_406, %get3A_407] {strides = array<i32>} : memref<64x256xf32, #tpu.memory_space<vmem>>, vector<1x16xf32>,
      %get3A_409 = vector.shape_cast %get3A_408 : vector<1x16xf32> to vector<16xf32>
      %swap3A_410 = arith.constant 36 : i32
      %swap3A_411 = arith.index_cast %swap3A_410 : i32 to index
      %swap3A_412 = arith.index_cast %multiple_of3A : i32 to index
      %swap3A_413 = tpu.vector_load %arg6[%swap3A_411, %swap3A_412] {strides = array<i32>} : memref<64x256xf32, #tpu.memory_space<vmem>>, vector<1x16xf32>,
      %swap3A_414 = vector.shape_cast %swap3A_413 : vector<1x16xf32> to vector<16xf32>
      %swap3A_415 = vector.shape_cast %get3A_409 : vector<16xf32> to vector<1x16xf32>
      tpu.vector_store %arg6[%swap3A_411, %swap3A_412], %swap3A_415 {strides = array<i32>} : memref<64x256xf32, #tpu.memory_space<vmem>>, vector<1x16xf32>,
      %get3A_416 = arith.constant 37 : i32
      %get3A_417 = arith.index_cast %get3A_416 : i32 to index
      %get3A_418 = arith.index_cast %multiple_of3A : i32 to index
      %get3A_419 = tpu.vector_load %arg5[%get3A_417, %get3A_418] {strides = array<i32>} : memref<64x256xf32, #tpu.memory_space<vmem>>, vector<1x16xf32>,
      %get3A_420 = vector.shape_cast %get3A_419 : vector<1x16xf32> to vector<16xf32>
      %swap3A_421 = arith.constant 37 : i32
      %swap3A_422 = arith.index_cast %swap3A_421 : i32 to index
      %swap3A_423 = arith.index_cast %multiple_of3A : i32 to index
      %swap3A_424 = tpu.vector_load %arg6[%swap3A_422, %swap3A_423] {strides = array<i32>} : memref<64x256xf32, #tpu.memory_space<vmem>>, vector<1x16xf32>,
      %swap3A_425 = vector.shape_cast %swap3A_424 : vector<1x16xf32> to vector<16xf32>
      %swap3A_426 = vector.shape_cast %get3A_420 : vector<16xf32> to vector<1x16xf32>
      tpu.vector_store %arg6[%swap3A_422, %swap3A_423], %swap3A_426 {strides = array<i32>} : memref<64x256xf32, #tpu.memory_space<vmem>>, vector<1x16xf32>,
      %get3A_427 = arith.constant 38 : i32
      %get3A_428 = arith.index_cast %get3A_427 : i32 to index
      %get3A_429 = arith.index_cast %multiple_of3A : i32 to index
      %get3A_430 = tpu.vector_load %arg5[%get3A_428, %get3A_429] {strides = array<i32>} : memref<64x256xf32, #tpu.memory_space<vmem>>, vector<1x16xf32>,
      %get3A_431 = vector.shape_cast %get3A_430 : vector<1x16xf32> to vector<16xf32>
      %swap3A_432 = arith.constant 38 : i32
      %swap3A_433 = arith.index_cast %swap3A_432 : i32 to index
      %swap3A_434 = arith.index_cast %multiple_of3A : i32 to index
      %swap3A_435 = tpu.vector_load %arg6[%swap3A_433, %swap3A_434] {strides = array<i32>} : memref<64x256xf32, #tpu.memory_space<vmem>>, vector<1x16xf32>,
      %swap3A_436 = vector.shape_cast %swap3A_435 : vector<1x16xf32> to vector<16xf32>
      %swap3A_437 = vector.shape_cast %get3A_431 : vector<16xf32> to vector<1x16xf32>
      tpu.vector_store %arg6[%swap3A_433, %swap3A_434], %swap3A_437 {strides = array<i32>} : memref<64x256xf32, #tpu.memory_space<vmem>>, vector<1x16xf32>,
      %get3A_438 = arith.constant 39 : i32
      %get3A_439 = arith.index_cast %get3A_438 : i32 to index
      %get3A_440 = arith.index_cast %multiple_of3A : i32 to index
      %get3A_441 = tpu.vector_load %arg5[%get3A_439, %get3A_440] {strides = array<i32>} : memref<64x256xf32, #tpu.memory_space<vmem>>, vector<1x16xf32>,
      %get3A_442 = vector.shape_cast %get3A_441 : vector<1x16xf32> to vector<16xf32>
      %swap3A_443 = arith.constant 39 : i32
      %swap3A_444 = arith.index_cast %swap3A_443 : i32 to index
      %swap3A_445 = arith.index_cast %multiple_of3A : i32 to index
      %swap3A_446 = tpu.vector_load %arg6[%swap3A_444, %swap3A_445] {strides = array<i32>} : memref<64x256xf32, #tpu.memory_space<vmem>>, vector<1x16xf32>,
      %swap3A_447 = vector.shape_cast %swap3A_446 : vector<1x16xf32> to vector<16xf32>
      %swap3A_448 = vector.shape_cast %get3A_442 : vector<16xf32> to vector<1x16xf32>
      tpu.vector_store %arg6[%swap3A_444, %swap3A_445], %swap3A_448 {strides = array<i32>} : memref<64x256xf32, #tpu.memory_space<vmem>>, vector<1x16xf32>,
      %get3A_449 = arith.constant 40 : i32
      %get3A_450 = arith.index_cast %get3A_449 : i32 to index
      %get3A_451 = arith.index_cast %multiple_of3A : i32 to index
      %get3A_452 = tpu.vector_load %arg5[%get3A_450, %get3A_451] {strides = array<i32>} : memref<64x256xf32, #tpu.memory_space<vmem>>, vector<1x16xf32>,
      %get3A_453 = vector.shape_cast %get3A_452 : vector<1x16xf32> to vector<16xf32>
      %swap3A_454 = arith.constant 40 : i32
      %swap3A_455 = arith.index_cast %swap3A_454 : i32 to index
      %swap3A_456 = arith.index_cast %multiple_of3A : i32 to index
      %swap3A_457 = tpu.vector_load %arg6[%swap3A_455, %swap3A_456] {strides = array<i32>} : memref<64x256xf32, #tpu.memory_space<vmem>>, vector<1x16xf32>,
      %swap3A_458 = vector.shape_cast %swap3A_457 : vector<1x16xf32> to vector<16xf32>
      %swap3A_459 = vector.shape_cast %get3A_453 : vector<16xf32> to vector<1x16xf32>
      tpu.vector_store %arg6[%swap3A_455, %swap3A_456], %swap3A_459 {strides = array<i32>} : memref<64x256xf32, #tpu.memory_space<vmem>>, vector<1x16xf32>,
      %get3A_460 = arith.constant 41 : i32
      %get3A_461 = arith.index_cast %get3A_460 : i32 to index
      %get3A_462 = arith.index_cast %multiple_of3A : i32 to index
      %get3A_463 = tpu.vector_load %arg5[%get3A_461, %get3A_462] {strides = array<i32>} : memref<64x256xf32, #tpu.memory_space<vmem>>, vector<1x16xf32>,
      %get3A_464 = vector.shape_cast %get3A_463 : vector<1x16xf32> to vector<16xf32>
      %swap3A_465 = arith.constant 41 : i32
      %swap3A_466 = arith.index_cast %swap3A_465 : i32 to index
      %swap3A_467 = arith.index_cast %multiple_of3A : i32 to index
      %swap3A_468 = tpu.vector_load %arg6[%swap3A_466, %swap3A_467] {strides = array<i32>} : memref<64x256xf32, #tpu.memory_space<vmem>>, vector<1x16xf32>,
      %swap3A_469 = vector.shape_cast %swap3A_468 : vector<1x16xf32> to vector<16xf32>
      %swap3A_470 = vector.shape_cast %get3A_464 : vector<16xf32> to vector<1x16xf32>
      tpu.vector_store %arg6[%swap3A_466, %swap3A_467], %swap3A_470 {strides = array<i32>} : memref<64x256xf32, #tpu.memory_space<vmem>>, vector<1x16xf32>,
      %get3A_471 = arith.constant 42 : i32
      %get3A_472 = arith.index_cast %get3A_471 : i32 to index
      %get3A_473 = arith.index_cast %multiple_of3A : i32 to index
      %get3A_474 = tpu.vector_load %arg5[%get3A_472, %get3A_473] {strides = array<i32>} : memref<64x256xf32, #tpu.memory_space<vmem>>, vector<1x16xf32>,
      %get3A_475 = vector.shape_cast %get3A_474 : vector<1x16xf32> to vector<16xf32>
      %swap3A_476 = arith.constant 42 : i32
      %swap3A_477 = arith.index_cast %swap3A_476 : i32 to index
      %swap3A_478 = arith.index_cast %multiple_of3A : i32 to index
      %swap3A_479 = tpu.vector_load %arg6[%swap3A_477, %swap3A_478] {strides = array<i32>} : memref<64x256xf32, #tpu.memory_space<vmem>>, vector<1x16xf32>,
      %swap3A_480 = vector.shape_cast %swap3A_479 : vector<1x16xf32> to vector<16xf32>
      %swap3A_481 = vector.shape_cast %get3A_475 : vector<16xf32> to vector<1x16xf32>
      tpu.vector_store %arg6[%swap3A_477, %swap3A_478], %swap3A_481 {strides = array<i32>} : memref<64x256xf32, #tpu.memory_space<vmem>>, vector<1x16xf32>,
      %get3A_482 = arith.constant 43 : i32
      %get3A_483 = arith.index_cast %get3A_482 : i32 to index
      %get3A_484 = arith.index_cast %multiple_of3A : i32 to index
      %get3A_485 = tpu.vector_load %arg5[%get3A_483, %get3A_484] {strides = array<i32>} : memref<64x256xf32, #tpu.memory_space<vmem>>, vector<1x16xf32>,
      %get3A_486 = vector.shape_cast %get3A_485 : vector<1x16xf32> to vector<16xf32>
      %swap3A_487 = arith.constant 43 : i32
      %swap3A_488 = arith.index_cast %swap3A_487 : i32 to index
      %swap3A_489 = arith.index_cast %multiple_of3A : i32 to index
      %swap3A_490 = tpu.vector_load %arg6[%swap3A_488, %swap3A_489] {strides = array<i32>} : memref<64x256xf32, #tpu.memory_space<vmem>>, vector<1x16xf32>,
      %swap3A_491 = vector.shape_cast %swap3A_490 : vector<1x16xf32> to vector<16xf32>
      %swap3A_492 = vector.shape_cast %get3A_486 : vector<16xf32> to vector<1x16xf32>
      tpu.vector_store %arg6[%swap3A_488, %swap3A_489], %swap3A_492 {strides = array<i32>} : memref<64x256xf32, #tpu.memory_space<vmem>>, vector<1x16xf32>,
      %get3A_493 = arith.constant 44 : i32
      %get3A_494 = arith.index_cast %get3A_493 : i32 to index
      %get3A_495 = arith.index_cast %multiple_of3A : i32 to index
      %get3A_496 = tpu.vector_load %arg5[%get3A_494, %get3A_495] {strides = array<i32>} : memref<64x256xf32, #tpu.memory_space<vmem>>, vector<1x16xf32>,
      %get3A_497 = vector.shape_cast %get3A_496 : vector<1x16xf32> to vector<16xf32>
      %swap3A_498 = arith.constant 44 : i32
      %swap3A_499 = arith.index_cast %swap3A_498 : i32 to index
      %swap3A_500 = arith.index_cast %multiple_of3A : i32 to index
      %swap3A_501 = tpu.vector_load %arg6[%swap3A_499, %swap3A_500] {strides = array<i32>} : memref<64x256xf32, #tpu.memory_space<vmem>>, vector<1x16xf32>,
      %swap3A_502 = vector.shape_cast %swap3A_501 : vector<1x16xf32> to vector<16xf32>
      %swap3A_503 = vector.shape_cast %get3A_497 : vector<16xf32> to vector<1x16xf32>
      tpu.vector_store %arg6[%swap3A_499, %swap3A_500], %swap3A_503 {strides = array<i32>} : memref<64x256xf32, #tpu.memory_space<vmem>>, vector<1x16xf32>,
      %get3A_504 = arith.constant 45 : i32
      %get3A_505 = arith.index_cast %get3A_504 : i32 to index
      %get3A_506 = arith.index_cast %multiple_of3A : i32 to index
      %get3A_507 = tpu.vector_load %arg5[%get3A_505, %get3A_506] {strides = array<i32>} : memref<64x256xf32, #tpu.memory_space<vmem>>, vector<1x16xf32>,
      %get3A_508 = vector.shape_cast %get3A_507 : vector<1x16xf32> to vector<16xf32>
      %swap3A_509 = arith.constant 45 : i32
      %swap3A_510 = arith.index_cast %swap3A_509 : i32 to index
      %swap3A_511 = arith.index_cast %multiple_of3A : i32 to index
      %swap3A_512 = tpu.vector_load %arg6[%swap3A_510, %swap3A_511] {strides = array<i32>} : memref<64x256xf32, #tpu.memory_space<vmem>>, vector<1x16xf32>,
      %swap3A_513 = vector.shape_cast %swap3A_512 : vector<1x16xf32> to vector<16xf32>
      %swap3A_514 = vector.shape_cast %get3A_508 : vector<16xf32> to vector<1x16xf32>
      tpu.vector_store %arg6[%swap3A_510, %swap3A_511], %swap3A_514 {strides = array<i32>} : memref<64x256xf32, #tpu.memory_space<vmem>>, vector<1x16xf32>,
      %get3A_515 = arith.constant 46 : i32
      %get3A_516 = arith.index_cast %get3A_515 : i32 to index
      %get3A_517 = arith.index_cast %multiple_of3A : i32 to index
      %get3A_518 = tpu.vector_load %arg5[%get3A_516, %get3A_517] {strides = array<i32>} : memref<64x256xf32, #tpu.memory_space<vmem>>, vector<1x16xf32>,
      %get3A_519 = vector.shape_cast %get3A_518 : vector<1x16xf32> to vector<16xf32>
      %swap3A_520 = arith.constant 46 : i32
      %swap3A_521 = arith.index_cast %swap3A_520 : i32 to index
      %swap3A_522 = arith.index_cast %multiple_of3A : i32 to index
      %swap3A_523 = tpu.vector_load %arg6[%swap3A_521, %swap3A_522] {strides = array<i32>} : memref<64x256xf32, #tpu.memory_space<vmem>>, vector<1x16xf32>,
      %swap3A_524 = vector.shape_cast %swap3A_523 : vector<1x16xf32> to vector<16xf32>
      %swap3A_525 = vector.shape_cast %get3A_519 : vector<16xf32> to vector<1x16xf32>
      tpu.vector_store %arg6[%swap3A_521, %swap3A_522], %swap3A_525 {strides = array<i32>} : memref<64x256xf32, #tpu.memory_space<vmem>>, vector<1x16xf32>,
      %get3A_526 = arith.constant 47 : i32
      %get3A_527 = arith.index_cast %get3A_526 : i32 to index
      %get3A_528 = arith.index_cast %multiple_of3A : i32 to index
      %get3A_529 = tpu.vector_load %arg5[%get3A_527, %get3A_528] {strides = array<i32>} : memref<64x256xf32, #tpu.memory_space<vmem>>, vector<1x16xf32>,
      %get3A_530 = vector.shape_cast %get3A_529 : vector<1x16xf32> to vector<16xf32>
      %swap3A_531 = arith.constant 47 : i32
      %swap3A_532 = arith.index_cast %swap3A_531 : i32 to index
      %swap3A_533 = arith.index_cast %multiple_of3A : i32 to index
      %swap3A_534 = tpu.vector_load %arg6[%swap3A_532, %swap3A_533] {strides = array<i32>} : memref<64x256xf32, #tpu.memory_space<vmem>>, vector<1x16xf32>,
      %swap3A_535 = vector.shape_cast %swap3A_534 : vector<1x16xf32> to vector<16xf32>
      %swap3A_536 = vector.shape_cast %get3A_530 : vector<16xf32> to vector<1x16xf32>
      tpu.vector_store %arg6[%swap3A_532, %swap3A_533], %swap3A_536 {strides = array<i32>} : memref<64x256xf32, #tpu.memory_space<vmem>>, vector<1x16xf32>,
      %get3A_537 = arith.constant 48 : i32
      %get3A_538 = arith.index_cast %get3A_537 : i32 to index
      %get3A_539 = arith.index_cast %multiple_of3A : i32 to index
      %get3A_540 = tpu.vector_load %arg5[%get3A_538, %get3A_539] {strides = array<i32>} : memref<64x256xf32, #tpu.memory_space<vmem>>, vector<1x16xf32>,
      %get3A_541 = vector.shape_cast %get3A_540 : vector<1x16xf32> to vector<16xf32>
      %swap3A_542 = arith.constant 48 : i32
      %swap3A_543 = arith.index_cast %swap3A_542 : i32 to index
      %swap3A_544 = arith.index_cast %multiple_of3A : i32 to index
      %swap3A_545 = tpu.vector_load %arg6[%swap3A_543, %swap3A_544] {strides = array<i32>} : memref<64x256xf32, #tpu.memory_space<vmem>>, vector<1x16xf32>,
      %swap3A_546 = vector.shape_cast %swap3A_545 : vector<1x16xf32> to vector<16xf32>
      %swap3A_547 = vector.shape_cast %get3A_541 : vector<16xf32> to vector<1x16xf32>
      tpu.vector_store %arg6[%swap3A_543, %swap3A_544], %swap3A_547 {strides = array<i32>} : memref<64x256xf32, #tpu.memory_space<vmem>>, vector<1x16xf32>,
      %get3A_548 = arith.constant 49 : i32
      %get3A_549 = arith.index_cast %get3A_548 : i32 to index
      %get3A_550 = arith.index_cast %multiple_of3A : i32 to index
      %get3A_551 = tpu.vector_load %arg5[%get3A_549, %get3A_550] {strides = array<i32>} : memref<64x256xf32, #tpu.memory_space<vmem>>, vector<1x16xf32>,
      %get3A_552 = vector.shape_cast %get3A_551 : vector<1x16xf32> to vector<16xf32>
      %swap3A_553 = arith.constant 49 : i32
      %swap3A_554 = arith.index_cast %swap3A_553 : i32 to index
      %swap3A_555 = arith.index_cast %multiple_of3A : i32 to index
      %swap3A_556 = tpu.vector_load %arg6[%swap3A_554, %swap3A_555] {strides = array<i32>} : memref<64x256xf32, #tpu.memory_space<vmem>>, vector<1x16xf32>,
      %swap3A_557 = vector.shape_cast %swap3A_556 : vector<1x16xf32> to vector<16xf32>
      %swap3A_558 = vector.shape_cast %get3A_552 : vector<16xf32> to vector<1x16xf32>
      tpu.vector_store %arg6[%swap3A_554, %swap3A_555], %swap3A_558 {strides = array<i32>} : memref<64x256xf32, #tpu.memory_space<vmem>>, vector<1x16xf32>,
      %get3A_559 = arith.constant 50 : i32
      %get3A_560 = arith.index_cast %get3A_559 : i32 to index
      %get3A_561 = arith.index_cast %multiple_of3A : i32 to index
      %get3A_562 = tpu.vector_load %arg5[%get3A_560, %get3A_561] {strides = array<i32>} : memref<64x256xf32, #tpu.memory_space<vmem>>, vector<1x16xf32>,
      %get3A_563 = vector.shape_cast %get3A_562 : vector<1x16xf32> to vector<16xf32>
      %swap3A_564 = arith.constant 50 : i32
      %swap3A_565 = arith.index_cast %swap3A_564 : i32 to index
      %swap3A_566 = arith.index_cast %multiple_of3A : i32 to index
      %swap3A_567 = tpu.vector_load %arg6[%swap3A_565, %swap3A_566] {strides = array<i32>} : memref<64x256xf32, #tpu.memory_space<vmem>>, vector<1x16xf32>,
      %swap3A_568 = vector.shape_cast %swap3A_567 : vector<1x16xf32> to vector<16xf32>
      %swap3A_569 = vector.shape_cast %get3A_563 : vector<16xf32> to vector<1x16xf32>
      tpu.vector_store %arg6[%swap3A_565, %swap3A_566], %swap3A_569 {strides = array<i32>} : memref<64x256xf32, #tpu.memory_space<vmem>>, vector<1x16xf32>,
      %get3A_570 = arith.constant 51 : i32
      %get3A_571 = arith.index_cast %get3A_570 : i32 to index
      %get3A_572 = arith.index_cast %multiple_of3A : i32 to index
      %get3A_573 = tpu.vector_load %arg5[%get3A_571, %get3A_572] {strides = array<i32>} : memref<64x256xf32, #tpu.memory_space<vmem>>, vector<1x16xf32>,
      %get3A_574 = vector.shape_cast %get3A_573 : vector<1x16xf32> to vector<16xf32>
      %swap3A_575 = arith.constant 51 : i32
      %swap3A_576 = arith.index_cast %swap3A_575 : i32 to index
      %swap3A_577 = arith.index_cast %multiple_of3A : i32 to index
      %swap3A_578 = tpu.vector_load %arg6[%swap3A_576, %swap3A_577] {strides = array<i32>} : memref<64x256xf32, #tpu.memory_space<vmem>>, vector<1x16xf32>,
      %swap3A_579 = vector.shape_cast %swap3A_578 : vector<1x16xf32> to vector<16xf32>
      %swap3A_580 = vector.shape_cast %get3A_574 : vector<16xf32> to vector<1x16xf32>
      tpu.vector_store %arg6[%swap3A_576, %swap3A_577], %swap3A_580 {strides = array<i32>} : memref<64x256xf32, #tpu.memory_space<vmem>>, vector<1x16xf32>,
      %get3A_581 = arith.constant 52 : i32
      %get3A_582 = arith.index_cast %get3A_581 : i32 to index
      %get3A_583 = arith.index_cast %multiple_of3A : i32 to index
      %get3A_584 = tpu.vector_load %arg5[%get3A_582, %get3A_583] {strides = array<i32>} : memref<64x256xf32, #tpu.memory_space<vmem>>, vector<1x16xf32>,
      %get3A_585 = vector.shape_cast %get3A_584 : vector<1x16xf32> to vector<16xf32>
      %swap3A_586 = arith.constant 52 : i32
      %swap3A_587 = arith.index_cast %swap3A_586 : i32 to index
      %swap3A_588 = arith.index_cast %multiple_of3A : i32 to index
      %swap3A_589 = tpu.vector_load %arg6[%swap3A_587, %swap3A_588] {strides = array<i32>} : memref<64x256xf32, #tpu.memory_space<vmem>>, vector<1x16xf32>,
      %swap3A_590 = vector.shape_cast %swap3A_589 : vector<1x16xf32> to vector<16xf32>
      %swap3A_591 = vector.shape_cast %get3A_585 : vector<16xf32> to vector<1x16xf32>
      tpu.vector_store %arg6[%swap3A_587, %swap3A_588], %swap3A_591 {strides = array<i32>} : memref<64x256xf32, #tpu.memory_space<vmem>>, vector<1x16xf32>,
      %get3A_592 = arith.constant 53 : i32
      %get3A_593 = arith.index_cast %get3A_592 : i32 to index
      %get3A_594 = arith.index_cast %multiple_of3A : i32 to index
      %get3A_595 = tpu.vector_load %arg5[%get3A_593, %get3A_594] {strides = array<i32>} : memref<64x256xf32, #tpu.memory_space<vmem>>, vector<1x16xf32>,
      %get3A_596 = vector.shape_cast %get3A_595 : vector<1x16xf32> to vector<16xf32>
      %swap3A_597 = arith.constant 53 : i32
      %swap3A_598 = arith.index_cast %swap3A_597 : i32 to index
      %swap3A_599 = arith.index_cast %multiple_of3A : i32 to index
      %swap3A_600 = tpu.vector_load %arg6[%swap3A_598, %swap3A_599] {strides = array<i32>} : memref<64x256xf32, #tpu.memory_space<vmem>>, vector<1x16xf32>,
      %swap3A_601 = vector.shape_cast %swap3A_600 : vector<1x16xf32> to vector<16xf32>
      %swap3A_602 = vector.shape_cast %get3A_596 : vector<16xf32> to vector<1x16xf32>
      tpu.vector_store %arg6[%swap3A_598, %swap3A_599], %swap3A_602 {strides = array<i32>} : memref<64x256xf32, #tpu.memory_space<vmem>>, vector<1x16xf32>,
      %get3A_603 = arith.constant 54 : i32
      %get3A_604 = arith.index_cast %get3A_603 : i32 to index
      %get3A_605 = arith.index_cast %multiple_of3A : i32 to index
      %get3A_606 = tpu.vector_load %arg5[%get3A_604, %get3A_605] {strides = array<i32>} : memref<64x256xf32, #tpu.memory_space<vmem>>, vector<1x16xf32>,
      %get3A_607 = vector.shape_cast %get3A_606 : vector<1x16xf32> to vector<16xf32>
      %swap3A_608 = arith.constant 54 : i32
      %swap3A_609 = arith.index_cast %swap3A_608 : i32 to index
      %swap3A_610 = arith.index_cast %multiple_of3A : i32 to index
      %swap3A_611 = tpu.vector_load %arg6[%swap3A_609, %swap3A_610] {strides = array<i32>} : memref<64x256xf32, #tpu.memory_space<vmem>>, vector<1x16xf32>,
      %swap3A_612 = vector.shape_cast %swap3A_611 : vector<1x16xf32> to vector<16xf32>
      %swap3A_613 = vector.shape_cast %get3A_607 : vector<16xf32> to vector<1x16xf32>
      tpu.vector_store %arg6[%swap3A_609, %swap3A_610], %swap3A_613 {strides = array<i32>} : memref<64x256xf32, #tpu.memory_space<vmem>>, vector<1x16xf32>,
      %get3A_614 = arith.constant 55 : i32
      %get3A_615 = arith.index_cast %get3A_614 : i32 to index
      %get3A_616 = arith.index_cast %multiple_of3A : i32 to index
      %get3A_617 = tpu.vector_load %arg5[%get3A_615, %get3A_616] {strides = array<i32>} : memref<64x256xf32, #tpu.memory_space<vmem>>, vector<1x16xf32>,
      %get3A_618 = vector.shape_cast %get3A_617 : vector<1x16xf32> to vector<16xf32>
      %swap3A_619 = arith.constant 55 : i32
      %swap3A_620 = arith.index_cast %swap3A_619 : i32 to index
      %swap3A_621 = arith.index_cast %multiple_of3A : i32 to index
      %swap3A_622 = tpu.vector_load %arg6[%swap3A_620, %swap3A_621] {strides = array<i32>} : memref<64x256xf32, #tpu.memory_space<vmem>>, vector<1x16xf32>,
      %swap3A_623 = vector.shape_cast %swap3A_622 : vector<1x16xf32> to vector<16xf32>
      %swap3A_624 = vector.shape_cast %get3A_618 : vector<16xf32> to vector<1x16xf32>
      tpu.vector_store %arg6[%swap3A_620, %swap3A_621], %swap3A_624 {strides = array<i32>} : memref<64x256xf32, #tpu.memory_space<vmem>>, vector<1x16xf32>,
      %get3A_625 = arith.constant 56 : i32
      %get3A_626 = arith.index_cast %get3A_625 : i32 to index
      %get3A_627 = arith.index_cast %multiple_of3A : i32 to index
      %get3A_628 = tpu.vector_load %arg5[%get3A_626, %get3A_627] {strides = array<i32>} : memref<64x256xf32, #tpu.memory_space<vmem>>, vector<1x16xf32>,
      %get3A_629 = vector.shape_cast %get3A_628 : vector<1x16xf32> to vector<16xf32>
      %swap3A_630 = arith.constant 56 : i32
      %swap3A_631 = arith.index_cast %swap3A_630 : i32 to index
      %swap3A_632 = arith.index_cast %multiple_of3A : i32 to index
      %swap3A_633 = tpu.vector_load %arg6[%swap3A_631, %swap3A_632] {strides = array<i32>} : memref<64x256xf32, #tpu.memory_space<vmem>>, vector<1x16xf32>,
      %swap3A_634 = vector.shape_cast %swap3A_633 : vector<1x16xf32> to vector<16xf32>
      %swap3A_635 = vector.shape_cast %get3A_629 : vector<16xf32> to vector<1x16xf32>
      tpu.vector_store %arg6[%swap3A_631, %swap3A_632], %swap3A_635 {strides = array<i32>} : memref<64x256xf32, #tpu.memory_space<vmem>>, vector<1x16xf32>,
      %get3A_636 = arith.constant 57 : i32
      %get3A_637 = arith.index_cast %get3A_636 : i32 to index
      %get3A_638 = arith.index_cast %multiple_of3A : i32 to index
      %get3A_639 = tpu.vector_load %arg5[%get3A_637, %get3A_638] {strides = array<i32>} : memref<64x256xf32, #tpu.memory_space<vmem>>, vector<1x16xf32>,
      %get3A_640 = vector.shape_cast %get3A_639 : vector<1x16xf32> to vector<16xf32>
      %swap3A_641 = arith.constant 57 : i32
      %swap3A_642 = arith.index_cast %swap3A_641 : i32 to index
      %swap3A_643 = arith.index_cast %multiple_of3A : i32 to index
      %swap3A_644 = tpu.vector_load %arg6[%swap3A_642, %swap3A_643] {strides = array<i32>} : memref<64x256xf32, #tpu.memory_space<vmem>>, vector<1x16xf32>,
      %swap3A_645 = vector.shape_cast %swap3A_644 : vector<1x16xf32> to vector<16xf32>
      %swap3A_646 = vector.shape_cast %get3A_640 : vector<16xf32> to vector<1x16xf32>
      tpu.vector_store %arg6[%swap3A_642, %swap3A_643], %swap3A_646 {strides = array<i32>} : memref<64x256xf32, #tpu.memory_space<vmem>>, vector<1x16xf32>,
      %get3A_647 = arith.constant 58 : i32
      %get3A_648 = arith.index_cast %get3A_647 : i32 to index
      %get3A_649 = arith.index_cast %multiple_of3A : i32 to index
      %get3A_650 = tpu.vector_load %arg5[%get3A_648, %get3A_649] {strides = array<i32>} : memref<64x256xf32, #tpu.memory_space<vmem>>, vector<1x16xf32>,
      %get3A_651 = vector.shape_cast %get3A_650 : vector<1x16xf32> to vector<16xf32>
      %swap3A_652 = arith.constant 58 : i32
      %swap3A_653 = arith.index_cast %swap3A_652 : i32 to index
      %swap3A_654 = arith.index_cast %multiple_of3A : i32 to index
      %swap3A_655 = tpu.vector_load %arg6[%swap3A_653, %swap3A_654] {strides = array<i32>} : memref<64x256xf32, #tpu.memory_space<vmem>>, vector<1x16xf32>,
      %swap3A_656 = vector.shape_cast %swap3A_655 : vector<1x16xf32> to vector<16xf32>
      %swap3A_657 = vector.shape_cast %get3A_651 : vector<16xf32> to vector<1x16xf32>
      tpu.vector_store %arg6[%swap3A_653, %swap3A_654], %swap3A_657 {strides = array<i32>} : memref<64x256xf32, #tpu.memory_space<vmem>>, vector<1x16xf32>,
      %get3A_658 = arith.constant 59 : i32
      %get3A_659 = arith.index_cast %get3A_658 : i32 to index
      %get3A_660 = arith.index_cast %multiple_of3A : i32 to index
      %get3A_661 = tpu.vector_load %arg5[%get3A_659, %get3A_660] {strides = array<i32>} : memref<64x256xf32, #tpu.memory_space<vmem>>, vector<1x16xf32>,
      %get3A_662 = vector.shape_cast %get3A_661 : vector<1x16xf32> to vector<16xf32>
      %swap3A_663 = arith.constant 59 : i32
      %swap3A_664 = arith.index_cast %swap3A_663 : i32 to index
      %swap3A_665 = arith.index_cast %multiple_of3A : i32 to index
      %swap3A_666 = tpu.vector_load %arg6[%swap3A_664, %swap3A_665] {strides = array<i32>} : memref<64x256xf32, #tpu.memory_space<vmem>>, vector<1x16xf32>,
      %swap3A_667 = vector.shape_cast %swap3A_666 : vector<1x16xf32> to vector<16xf32>
      %swap3A_668 = vector.shape_cast %get3A_662 : vector<16xf32> to vector<1x16xf32>
      tpu.vector_store %arg6[%swap3A_664, %swap3A_665], %swap3A_668 {strides = array<i32>} : memref<64x256xf32, #tpu.memory_space<vmem>>, vector<1x16xf32>,
      %get3A_669 = arith.constant 60 : i32
      %get3A_670 = arith.index_cast %get3A_669 : i32 to index
      %get3A_671 = arith.index_cast %multiple_of3A : i32 to index
      %get3A_672 = tpu.vector_load %arg5[%get3A_670, %get3A_671] {strides = array<i32>} : memref<64x256xf32, #tpu.memory_space<vmem>>, vector<1x16xf32>,
      %get3A_673 = vector.shape_cast %get3A_672 : vector<1x16xf32> to vector<16xf32>
      %swap3A_674 = arith.constant 60 : i32
      %swap3A_675 = arith.index_cast %swap3A_674 : i32 to index
      %swap3A_676 = arith.index_cast %multiple_of3A : i32 to index
      %swap3A_677 = tpu.vector_load %arg6[%swap3A_675, %swap3A_676] {strides = array<i32>} : memref<64x256xf32, #tpu.memory_space<vmem>>, vector<1x16xf32>,
      %swap3A_678 = vector.shape_cast %swap3A_677 : vector<1x16xf32> to vector<16xf32>
      %swap3A_679 = vector.shape_cast %get3A_673 : vector<16xf32> to vector<1x16xf32>
      tpu.vector_store %arg6[%swap3A_675, %swap3A_676], %swap3A_679 {strides = array<i32>} : memref<64x256xf32, #tpu.memory_space<vmem>>, vector<1x16xf32>,
      %get3A_680 = arith.constant 61 : i32
      %get3A_681 = arith.index_cast %get3A_680 : i32 to index
      %get3A_682 = arith.index_cast %multiple_of3A : i32 to index
      %get3A_683 = tpu.vector_load %arg5[%get3A_681, %get3A_682] {strides = array<i32>} : memref<64x256xf32, #tpu.memory_space<vmem>>, vector<1x16xf32>,
      %get3A_684 = vector.shape_cast %get3A_683 : vector<1x16xf32> to vector<16xf32>
      %swap3A_685 = arith.constant 61 : i32
      %swap3A_686 = arith.index_cast %swap3A_685 : i32 to index
      %swap3A_687 = arith.index_cast %multiple_of3A : i32 to index
      %swap3A_688 = tpu.vector_load %arg6[%swap3A_686, %swap3A_687] {strides = array<i32>} : memref<64x256xf32, #tpu.memory_space<vmem>>, vector<1x16xf32>,
      %swap3A_689 = vector.shape_cast %swap3A_688 : vector<1x16xf32> to vector<16xf32>
      %swap3A_690 = vector.shape_cast %get3A_684 : vector<16xf32> to vector<1x16xf32>
      tpu.vector_store %arg6[%swap3A_686, %swap3A_687], %swap3A_690 {strides = array<i32>} : memref<64x256xf32, #tpu.memory_space<vmem>>, vector<1x16xf32>,
      %get3A_691 = arith.constant 62 : i32
      %get3A_692 = arith.index_cast %get3A_691 : i32 to index
      %get3A_693 = arith.index_cast %multiple_of3A : i32 to index
      %get3A_694 = tpu.vector_load %arg5[%get3A_692, %get3A_693] {strides = array<i32>} : memref<64x256xf32, #tpu.memory_space<vmem>>, vector<1x16xf32>,
      %get3A_695 = vector.shape_cast %get3A_694 : vector<1x16xf32> to vector<16xf32>
      %swap3A_696 = arith.constant 62 : i32
      %swap3A_697 = arith.index_cast %swap3A_696 : i32 to index
      %swap3A_698 = arith.index_cast %multiple_of3A : i32 to index
      %swap3A_699 = tpu.vector_load %arg6[%swap3A_697, %swap3A_698] {strides = array<i32>} : memref<64x256xf32, #tpu.memory_space<vmem>>, vector<1x16xf32>,
      %swap3A_700 = vector.shape_cast %swap3A_699 : vector<1x16xf32> to vector<16xf32>
      %swap3A_701 = vector.shape_cast %get3A_695 : vector<16xf32> to vector<1x16xf32>
      tpu.vector_store %arg6[%swap3A_697, %swap3A_698], %swap3A_701 {strides = array<i32>} : memref<64x256xf32, #tpu.memory_space<vmem>>, vector<1x16xf32>,
      %get3A_702 = arith.constant 63 : i32
      %get3A_703 = arith.index_cast %get3A_702 : i32 to index
      %get3A_704 = arith.index_cast %multiple_of3A : i32 to index
      %get3A_705 = tpu.vector_load %arg5[%get3A_703, %get3A_704] {strides = array<i32>} : memref<64x256xf32, #tpu.memory_space<vmem>>, vector<1x16xf32>,
      %get3A_706 = vector.shape_cast %get3A_705 : vector<1x16xf32> to vector<16xf32>
      %swap3A_707 = arith.constant 63 : i32
      %swap3A_708 = arith.index_cast %swap3A_707 : i32 to index
      %swap3A_709 = arith.index_cast %multiple_of3A : i32 to index
      %swap3A_710 = tpu.vector_load %arg6[%swap3A_708, %swap3A_709] {strides = array<i32>} : memref<64x256xf32, #tpu.memory_space<vmem>>, vector<1x16xf32>,
      %swap3A_711 = vector.shape_cast %swap3A_710 : vector<1x16xf32> to vector<16xf32>
      %swap3A_712 = vector.shape_cast %get3A_706 : vector<16xf32> to vector<1x16xf32>
      tpu.vector_store %arg6[%swap3A_708, %swap3A_709], %swap3A_712 {strides = array<i32>} : memref<64x256xf32, #tpu.memory_space<vmem>>, vector<1x16xf32>,
      %broadcast_in_dim3A = arith.constant 0 : i32
      %broadcast_in_dim3A_713 = vector.broadcast %broadcast_in_dim3A : i32 to vector<16xi32>
      %swap3A_714 = arith.constant 0 : i32
      %swap3A_715 = arith.index_cast %swap3A_714 : i32 to index
      %swap3A_716 = arith.index_cast %multiple_of3A : i32 to index
      %swap3A_717 = tpu.vector_load %arg7[%swap3A_715, %swap3A_716] {strides = array<i32>} : memref<8x256xi32, #tpu.memory_space<vmem>>, vector<1x16xi32>,
      %swap3A_718 = vector.shape_cast %swap3A_717 : vector<1x16xi32> to vector<16xi32>
      %swap3A_719 = vector.shape_cast %broadcast_in_dim3A_713 : vector<16xi32> to vector<1x16xi32>
      tpu.vector_store %arg7[%swap3A_715, %swap3A_716], %swap3A_719 {strides = array<i32>} : memref<8x256xi32, #tpu.memory_space<vmem>>, vector<1x16xi32>,
      %broadcast_in_dim3A_720 = arith.constant 1 : i32
      %broadcast_in_dim3A_721 = vector.broadcast %broadcast_in_dim3A_720 : i32 to vector<16xi32>
      %swap3A_722 = arith.constant 1 : i32
      %swap3A_723 = arith.index_cast %swap3A_722 : i32 to index
      %swap3A_724 = arith.index_cast %multiple_of3A : i32 to index
      %swap3A_725 = tpu.vector_load %arg7[%swap3A_723, %swap3A_724] {strides = array<i32>} : memref<8x256xi32, #tpu.memory_space<vmem>>, vector<1x16xi32>,
      %swap3A_726 = vector.shape_cast %swap3A_725 : vector<1x16xi32> to vector<16xi32>
      %swap3A_727 = vector.shape_cast %broadcast_in_dim3A_721 : vector<16xi32> to vector<1x16xi32>
      tpu.vector_store %arg7[%swap3A_723, %swap3A_724], %swap3A_727 {strides = array<i32>} : memref<8x256xi32, #tpu.memory_space<vmem>>, vector<1x16xi32>,
      %broadcast_in_dim3A_728 = arith.constant 2 : i32
      %broadcast_in_dim3A_729 = vector.broadcast %broadcast_in_dim3A_728 : i32 to vector<16xi32>
      %swap3A_730 = arith.constant 2 : i32
      %swap3A_731 = arith.index_cast %swap3A_730 : i32 to index
      %swap3A_732 = arith.index_cast %multiple_of3A : i32 to index
      %swap3A_733 = tpu.vector_load %arg7[%swap3A_731, %swap3A_732] {strides = array<i32>} : memref<8x256xi32, #tpu.memory_space<vmem>>, vector<1x16xi32>,
      %swap3A_734 = vector.shape_cast %swap3A_733 : vector<1x16xi32> to vector<16xi32>
      %swap3A_735 = vector.shape_cast %broadcast_in_dim3A_729 : vector<16xi32> to vector<1x16xi32>
      tpu.vector_store %arg7[%swap3A_731, %swap3A_732], %swap3A_735 {strides = array<i32>} : memref<8x256xi32, #tpu.memory_space<vmem>>, vector<1x16xi32>,
      %broadcast_in_dim3A_736 = arith.constant 3 : i32
      %broadcast_in_dim3A_737 = vector.broadcast %broadcast_in_dim3A_736 : i32 to vector<16xi32>
      %swap3A_738 = arith.constant 3 : i32
      %swap3A_739 = arith.index_cast %swap3A_738 : i32 to index
      %swap3A_740 = arith.index_cast %multiple_of3A : i32 to index
      %swap3A_741 = tpu.vector_load %arg7[%swap3A_739, %swap3A_740] {strides = array<i32>} : memref<8x256xi32, #tpu.memory_space<vmem>>, vector<1x16xi32>,
      %swap3A_742 = vector.shape_cast %swap3A_741 : vector<1x16xi32> to vector<16xi32>
      %swap3A_743 = vector.shape_cast %broadcast_in_dim3A_737 : vector<16xi32> to vector<1x16xi32>
      tpu.vector_store %arg7[%swap3A_739, %swap3A_740], %swap3A_743 {strides = array<i32>} : memref<8x256xi32, #tpu.memory_space<vmem>>, vector<1x16xi32>,
      %broadcast_in_dim3A_744 = arith.constant 4 : i32
      %broadcast_in_dim3A_745 = vector.broadcast %broadcast_in_dim3A_744 : i32 to vector<16xi32>
      %swap3A_746 = arith.constant 4 : i32
      %swap3A_747 = arith.index_cast %swap3A_746 : i32 to index
      %swap3A_748 = arith.index_cast %multiple_of3A : i32 to index
      %swap3A_749 = tpu.vector_load %arg7[%swap3A_747, %swap3A_748] {strides = array<i32>} : memref<8x256xi32, #tpu.memory_space<vmem>>, vector<1x16xi32>,
      %swap3A_750 = vector.shape_cast %swap3A_749 : vector<1x16xi32> to vector<16xi32>
      %swap3A_751 = vector.shape_cast %broadcast_in_dim3A_745 : vector<16xi32> to vector<1x16xi32>
      tpu.vector_store %arg7[%swap3A_747, %swap3A_748], %swap3A_751 {strides = array<i32>} : memref<8x256xi32, #tpu.memory_space<vmem>>, vector<1x16xi32>,
      %broadcast_in_dim3A_752 = arith.constant 5 : i32
      %broadcast_in_dim3A_753 = vector.broadcast %broadcast_in_dim3A_752 : i32 to vector<16xi32>
      %swap3A_754 = arith.constant 5 : i32
      %swap3A_755 = arith.index_cast %swap3A_754 : i32 to index
      %swap3A_756 = arith.index_cast %multiple_of3A : i32 to index
      %swap3A_757 = tpu.vector_load %arg7[%swap3A_755, %swap3A_756] {strides = array<i32>} : memref<8x256xi32, #tpu.memory_space<vmem>>, vector<1x16xi32>,
      %swap3A_758 = vector.shape_cast %swap3A_757 : vector<1x16xi32> to vector<16xi32>
      %swap3A_759 = vector.shape_cast %broadcast_in_dim3A_753 : vector<16xi32> to vector<1x16xi32>
      tpu.vector_store %arg7[%swap3A_755, %swap3A_756], %swap3A_759 {strides = array<i32>} : memref<8x256xi32, #tpu.memory_space<vmem>>, vector<1x16xi32>,
      %broadcast_in_dim3A_760 = arith.constant 6 : i32
      %broadcast_in_dim3A_761 = vector.broadcast %broadcast_in_dim3A_760 : i32 to vector<16xi32>
      %swap3A_762 = arith.constant 6 : i32
      %swap3A_763 = arith.index_cast %swap3A_762 : i32 to index
      %swap3A_764 = arith.index_cast %multiple_of3A : i32 to index
      %swap3A_765 = tpu.vector_load %arg7[%swap3A_763, %swap3A_764] {strides = array<i32>} : memref<8x256xi32, #tpu.memory_space<vmem>>, vector<1x16xi32>,
      %swap3A_766 = vector.shape_cast %swap3A_765 : vector<1x16xi32> to vector<16xi32>
      %swap3A_767 = vector.shape_cast %broadcast_in_dim3A_761 : vector<16xi32> to vector<1x16xi32>
      tpu.vector_store %arg7[%swap3A_763, %swap3A_764], %swap3A_767 {strides = array<i32>} : memref<8x256xi32, #tpu.memory_space<vmem>>, vector<1x16xi32>,
      %broadcast_in_dim3A_768 = arith.constant 7 : i32
      %broadcast_in_dim3A_769 = vector.broadcast %broadcast_in_dim3A_768 : i32 to vector<16xi32>
      %swap3A_770 = arith.constant 7 : i32
      %swap3A_771 = arith.index_cast %swap3A_770 : i32 to index
      %swap3A_772 = arith.index_cast %multiple_of3A : i32 to index
      %swap3A_773 = tpu.vector_load %arg7[%swap3A_771, %swap3A_772] {strides = array<i32>} : memref<8x256xi32, #tpu.memory_space<vmem>>, vector<1x16xi32>,
      %swap3A_774 = vector.shape_cast %swap3A_773 : vector<1x16xi32> to vector<16xi32>
      %swap3A_775 = vector.shape_cast %broadcast_in_dim3A_769 : vector<16xi32> to vector<1x16xi32>
      tpu.vector_store %arg7[%swap3A_771, %swap3A_772], %swap3A_775 {strides = array<i32>} : memref<8x256xi32, #tpu.memory_space<vmem>>, vector<1x16xi32>,
    }
    %scan3A_7 = arith.constant 16 : i32
    "tpu.region"() ({
      %run_scoped3A = tpu.sem_alloc : memref<!tpu.dma_semaphore, #tpu.memory_space<semaphore_mem>>
      %dma_start3A = arith.constant 0 : i32
      %dma_start3A_8 = tpu.memref_slice %arg3[%dma_start3A, %mul3A_2] : memref<64x8192xf32, #tpu.memory_space<hbm>> -> memref<64x256xf32, #tpu.memory_space<hbm>>
      %dma_start3A_9 = arith.constant 0 : i32
      %dma_start3A_10 = tpu.memref_slice %arg3[%dma_start3A_9, %mul3A_2] : memref<64x8192xf32, #tpu.memory_space<hbm>> -> memref<64x256xf32, #tpu.memory_space<hbm>>
      tpu.enqueue_dma source(%arg6 : memref<64x256xf32, #tpu.memory_space<vmem>>) target(%dma_start3A_10 : memref<64x256xf32, #tpu.memory_space<hbm>>) target_semaphore(%run_scoped3A : memref<!tpu.dma_semaphore, #tpu.memory_space<semaphore_mem>>)
      %dma_wait3A = arith.constant 0 : i32
      %dma_wait3A_11 = tpu.memref_slice %arg3[%dma_wait3A, %mul3A_2] : memref<64x8192xf32, #tpu.memory_space<hbm>> -> memref<64x256xf32, #tpu.memory_space<hbm>>
      %dma_wait3A_12 = arith.constant 0 : i32
      %dma_wait3A_13 = tpu.memref_slice %arg3[%dma_wait3A_12, %mul3A_2] : memref<64x8192xf32, #tpu.memory_space<hbm>> -> memref<64x256xf32, #tpu.memory_space<hbm>>
      tpu.wait_dma2 semaphore(%run_scoped3A : memref<!tpu.dma_semaphore, #tpu.memory_space<semaphore_mem>>) src(%arg6 : memref<64x256xf32, #tpu.memory_space<vmem>>) dst(%dma_wait3A_13 : memref<64x256xf32, #tpu.memory_space<hbm>>)
      tpu.yield
    }) : () -> ()
    "tpu.region"() ({
      %run_scoped3A = tpu.sem_alloc : memref<!tpu.dma_semaphore, #tpu.memory_space<semaphore_mem>>
      %dma_start3A = arith.constant 0 : i32
      %dma_start3A_8 = tpu.memref_slice %arg4[%dma_start3A, %mul3A_2] : memref<8x8192xi32, #tpu.memory_space<hbm>> -> memref<8x256xi32, #tpu.memory_space<hbm>>
      %dma_start3A_9 = arith.constant 0 : i32
      %dma_start3A_10 = tpu.memref_slice %arg4[%dma_start3A_9, %mul3A_2] : memref<8x8192xi32, #tpu.memory_space<hbm>> -> memref<8x256xi32, #tpu.memory_space<hbm>>
      tpu.enqueue_dma source(%arg7 : memref<8x256xi32, #tpu.memory_space<vmem>>) target(%dma_start3A_10 : memref<8x256xi32, #tpu.memory_space<hbm>>) target_semaphore(%run_scoped3A : memref<!tpu.dma_semaphore, #tpu.memory_space<semaphore_mem>>)
      %dma_wait3A = arith.constant 0 : i32
      %dma_wait3A_11 = tpu.memref_slice %arg4[%dma_wait3A, %mul3A_2] : memref<8x8192xi32, #tpu.memory_space<hbm>> -> memref<8x256xi32, #tpu.memory_space<hbm>>
      %dma_wait3A_12 = arith.constant 0 : i32
      %dma_wait3A_13 = tpu.memref_slice %arg4[%dma_wait3A_12, %mul3A_2] : memref<8x8192xi32, #tpu.memory_space<hbm>> -> memref<8x256xi32, #tpu.memory_space<hbm>>
      tpu.wait_dma2 semaphore(%run_scoped3A : memref<!tpu.dma_semaphore, #tpu.memory_space<semaphore_mem>>) src(%arg7 : memref<8x256xi32, #tpu.memory_space<vmem>>) dst(%dma_wait3A_13 : memref<8x256xi32, #tpu.memory_space<hbm>>)
      tpu.yield
    }) : () -> ()
    return
  }
}

module attributes {stable_mosaic.version = 14 : i64} {
  func.func @_matmul_kernel(%arg0: i32, %arg1: memref<512x2048xf32, #tpu.memory_space<vmem>>, %arg2: memref<64x2048xf32, #tpu.memory_space<vmem>>, %arg3: memref<64x512xf32, #tpu.memory_space<vmem>>, %arg4: memref<64x512xf32, #tpu.memory_space<vmem>>) attributes {dimension_semantics = [#tpu.dimension_semantics<parallel>], iteration_bounds = array<i64: 16>, scalar_prefetch = 0 : i64, scratch_operands = 0 : i64, tpu.core_type = #tpu.core_type<tc>, window_params = [{transform_indices = @transform_0, window_bounds = array<i64: 512, 2048>}, {pipeline_mode = #tpu.pipeline_mode<synchronous>, transform_indices = @transform_1, window_bounds = array<i64: 64, 2048>}, {pipeline_mode = #tpu.pipeline_mode<synchronous>, transform_indices = @transform_2, window_bounds = array<i64: 64, 512>}, {transform_indices = @transform_3, window_bounds = array<i64: 64, 512>}]} {
    %get3A = arith.constant 0 : index
    %get3A_0 = arith.constant 0 : index
    %get3A_1 = vector.load %arg2[%get3A, %get3A_0] : memref<64x2048xf32, #tpu.memory_space<vmem>>, vector<64x2048xf32>
    %get3A_2 = arith.constant 0 : index
    %get3A_3 = arith.constant 0 : index
    %get3A_4 = vector.load %arg1[%get3A_2, %get3A_3] : memref<512x2048xf32, #tpu.memory_space<vmem>>, vector<512x2048xf32>
    %dot_general3A = arith.constant dense<0.000000e+00> : vector<64x512xf32>
    %dot_general3A_5 = tpu.matmul %get3A_1, %get3A_4, %dot_general3A {dimension_numbers = #tpu.dot_dimension_numbers<[1], [1], [0], [0], [0, 0, 1, 0], [], []>, transpose_lhs_hint = false} : vector<64x2048xf32>, vector<512x2048xf32>, vector<64x512xf32> -> vector<64x512xf32>
    %get3A_6 = arith.constant 0 : index
    %get3A_7 = arith.constant 0 : index
    %get3A_8 = vector.load %arg3[%get3A_6, %get3A_7] : memref<64x512xf32, #tpu.memory_space<vmem>>, vector<64x512xf32>
    %add3A = arith.addf %dot_general3A_5, %get3A_8 : vector<64x512xf32>
    %swap3A = arith.constant 0 : index
    %swap3A_9 = arith.constant 0 : index
    %swap3A_10 = vector.load %arg4[%swap3A, %swap3A_9] : memref<64x512xf32, #tpu.memory_space<vmem>>, vector<64x512xf32>
    tpu.vector_store %arg4[%swap3A, %swap3A_9], %add3A {strides = array<i32>} : memref<64x512xf32, #tpu.memory_space<vmem>>, vector<64x512xf32>,
    return
  }
  func.func @transform_0(%arg0: i32) -> (i32, i32) {
    %c0_i32 = arith.constant 0 : i32
    %c0_i32_0 = arith.constant 0 : i32
    return %arg0, %c0_i32 : i32, i32
  }
  func.func @transform_1(%arg0: i32) -> (i32, i32) {
    %c0_i32 = arith.constant 0 : i32
    %c0_i32_0 = arith.constant 0 : i32
    %c0_i32_1 = arith.constant 0 : i32
    return %c0_i32, %c0_i32_0 : i32, i32
  }
  func.func @transform_2(%arg0: i32) -> (i32, i32) {
    %c0_i32 = arith.constant 0 : i32
    %c0_i32_0 = arith.constant 0 : i32
    %c0_i32_1 = arith.constant 0 : i32
    return %c0_i32, %c0_i32_0 : i32, i32
  }
  func.func @transform_3(%arg0: i32) -> (i32, i32) {
    %c0_i32 = arith.constant 0 : i32
    %c0_i32_0 = arith.constant 0 : i32
    return %c0_i32, %arg0 : i32, i32
  }
}

</mosaic_0001>

<sc_bundles>
// kernel: kernel.4.cloned.1.call-start
scs
__scs_entry_jumppad:
0x0: {  	(pc) =	sbr.rel $0x88, $3  }
0x1: {  	(tag) =	ssettag $0x0;
	lr =	simm.s32 $0x1  }
0x2: {  	[smem:$0x3F9E] =	sst lr;
	_ =	strace $0xD0000000  }
0x3: {  	_ = 	snop  }
0x4: {  	_ = 	snop  }
0x5: {  	_ = 	snop  }
0x6: {  	_ = 	snop  }
0x7: {  	_ = 	snop  }
__scs_overlays_trampoline_lowered:
0x8: {  	[smem:$0x3FAD] =	sst s0  }
0x9: {  	[smem:$0x3FAE] =	sst s1  }
0xa: {  	[smem:$0x3FAF] =	sst s2  }
0xb: {  	[smem:$0x3FB0] =	sst s3  }
0xc: {  	[smem:$0x3FB1] =	sst s4  }
0xd: {  	[smem:$0x3FB2] =	sst s5  }
0xe: {  	[smem:$0x3FB3] =	sst s6  }
0xf: {  	[smem:$0x3FB4] =	sst s7  }
0x10: {  	[smem:$0x3FB5] =	sst s8  }
0x11: {  	[smem:$0x3FB6] =	sst s9;
	s0 =	simm.s32 @!p0 $0x0  }
0x12: {  	s1 =	sld [smem:$0x3F9C];
	s0 =	simm.s32 @p0 $0x1  }
0x13: {  	[smem:$0x3FB7] =	sst s0;
	s0 =	simm.s32 @!p1 $0x0  }
0x14: {  	s2 =	sld [smem:$0x3F9B];
	s0 =	simm.s32 @p1 $0x1  }
0x15: {  	[smem:$0x3FB8] =	sst s0;
	s0 =	simm.s32 @!p2 $0x0  }
0x16: {  	s3 =	sld [smem:$0x3FDB];
	s0 =	simm.s32 @p2 $0x1  }
0x17: {  	s4 =	simm.s32 $0x1BF5;
	[smem:$0x3FBA] =	sst s0  }
0x18: {  	s0 =	sld [smem:$0x3F9D];
	_ =	swait.ge [sflag:s4], $0x0  }
0x19: {  	s7 =	sld [smem:$0x3F9E]  }
0x1a: {  	s8 =	sadd.s32 $0xFFFFE003, lr  }
0x1b: {  	s9 =	sadd.s32 $0xFFFFFEF7, lr;
	s5 =	simm.s32 $0xFFFFFFFF;
	p2 =	slt.u32 s8, $0xFFFFF086  }
0x1c: {  	p1 =	slt.u32 s9, $0xF7A;
	s5 =	simm.s32 @!p2 $0x0  }
0x1d: {  	s5 =	simm.s32 @p1 $0x1;
	p0 =	seq.s32 s7, s2  }
0x1e: {  	s7 =	smul.u32 @!p0 $0xF7A, s2;
	p2 =	seq.s32 @!p0 s5, $0x0  }
0x1f: {  	s9 =	smul.u32 $0xF7A, s1;
	s8 =	simm.s32 @!p0 $0x1BF5;
	p2 =	por !p2, p0  }
0x20: {  	[sflag:s8] =	ssyncset.s32 @!p0 $0xFFFFF086;
	s6 =	sadd.s32 @!p0 s3, s7;
	s7 =	simm.s32 @!p0 $0x108  }
0x21: {  	s3 =	sadd.s32 s3, s9;
	s6 =	sadd.s32 @!p0 $0x88, s6;
	s7 =	simm.s32 @p2 $0x1082  }
0x22: {  	[simem:s7], [sflag:s8] =	dma.local @!p0 [hbm:s6], $0xF7A  }
0x23: {  	s9 =	sor.u32 $0xD0000000, s2;
	s6 =	simm.s32 $0x108;
	_ =	swait.ge @!p0 [sflag:s8], $0x0  }
0x24: {  	s3 =	sadd.s32 $0x88, s3;
	s6 =	simm.s32 @!p1 $0x1082;
	[sflag:s4] =	ssyncset.s32 $0xFFFFF086  }
0x25: {  	[simem:s6], [sflag:s4] =	dma.local [hbm:s3], $0xF7A  }
0x26: {  	[smem:$0x3F9E] =	sst s1;
	(tag) =	ssettag s2;
	_ =	strace s9  }
0x27: {  	s1 =	sld [smem:$0x3FAE]  }
0x28: {  	s2 =	sld [smem:$0x3FAF]  }
0x29: {  	s4 =	sld [smem:$0x3FB1]  }
0x2a: {  	p0 =	seq.s32 s5, $0x0;
	s5 =	sld [smem:$0x3FB2]  }
0x2b: {  	s6 =	sld [smem:$0x3FB3]  }
0x2c: {  	s7 =	sld [smem:$0x3FB4]  }
0x2d: {  	s3 =	simm.s32 $0x108;
	s8 =	sld [smem:$0x3FB5]  }
0x2e: {  	s3 =	simm.s32 @!p0 $0x1082;
	s9 =	sld [smem:$0x3FB6]  }
0x2f: {  	lr =	sadd.s32 s0, s3;
	s0 =	sld [smem:$0x3FAD]  }
0x30: {  	s3 =	sld [smem:$0x3FB0]  }
0x31: {  	[smem:$0x3FB9] =	sst s10  }
0x32: {  	s10 =	sld [smem:$0x3FB7];
	_ =	sdelay $0x3  }
0x33: {  	p0 =	seq.s32 s10, $0x1;
	s10 =	sld [smem:$0x3FB9];
	_ =	sdelay $0x3  }
0x34: {  	[smem:$0x3FB9] =	sst s10  }
0x35: {  	s10 =	sld [smem:$0x3FB8];
	_ =	sdelay $0x3  }
0x36: {  	p1 =	seq.s32 s10, $0x1;
	s10 =	sld [smem:$0x3FB9];
	_ =	sdelay $0x3  }
0x37: {  	[smem:$0x3FB9] =	sst s10  }
0x38: {  	s10 =	sld [smem:$0x3FBA]  }
0x39: {  	_ = 	snop;
	(pc) =	sbr.ind lr, $3  }
0x3a: {  	_ = 	snop  }
0x3b: {  	_ = 	snop  }
0x3c: {  	p2 =	seq.s32 s10, $0x1;
	s10 =	sld [smem:$0x3FB9]  }
0x3d: {  	_ =	shalt  }
0x3e: {  	_ =	shalt  }
0x3f: {  	_ =	shalt  }
0x40: {  	_ =	shalt  }
0x41: {  	_ =	shalt  }
0x42: {  	_ =	shalt  }
0x43: {  	_ =	shalt  }
0x44: {  	_ =	shalt  }
0x45: {  	_ =	shalt  }
0x46: {  	_ =	shalt  }
0x47: {  	_ =	shalt  }
0x48: {  	_ =	shalt  }
0x49: {  	_ =	shalt  }
0x4a: {  	_ =	shalt  }
0x4b: {  	_ =	shalt  }
0x4c: {  	_ =	shalt  }
0x4d: {  	_ =	shalt  }
0x4e: {  	_ =	shalt  }
0x4f: {  	_ =	shalt  }
0x50: {  	_ =	shalt  }
0x51: {  	_ =	shalt  }
0x52: {  	_ =	shalt  }
0x53: {  	_ =	shalt  }
0x54: {  	_ =	shalt  }
0x55: {  	_ =	shalt  }
0x56: {  	_ =	shalt  }
0x57: {  	_ =	shalt  }
0x58: {  	_ =	shalt  }
0x59: {  	_ =	shalt  }
0x5a: {  	_ =	shalt  }
0x5b: {  	_ =	shalt  }
0x5c: {  	_ =	shalt  }
0x5d: {  	_ =	shalt  }
0x5e: {  	_ =	shalt  }
0x5f: {  	_ =	shalt  }
0x60: {  	_ =	shalt  }
0x61: {  	_ =	shalt  }
0x62: {  	_ =	shalt  }
0x63: {  	_ =	shalt  }
0x64: {  	_ =	shalt  }
0x65: {  	_ =	shalt  }
0x66: {  	_ =	shalt  }
0x67: {  	_ =	shalt  }
0x68: {  	_ =	shalt  }
0x69: {  	_ =	shalt  }
0x6a: {  	_ =	shalt  }
0x6b: {  	_ =	shalt  }
0x6c: {  	_ =	shalt  }
0x6d: {  	_ =	shalt  }
0x6e: {  	_ =	shalt  }
0x6f: {  	_ =	shalt  }
0x70: {  	_ =	shalt  }
0x71: {  	_ =	shalt  }
0x72: {  	_ =	shalt  }
0x73: {  	_ =	shalt  }
0x74: {  	_ =	shalt  }
0x75: {  	_ =	shalt  }
0x76: {  	_ =	shalt  }
0x77: {  	_ =	shalt  }
0x78: {  	_ =	shalt  }
0x79: {  	_ =	shalt  }
0x7a: {  	_ =	shalt  }
0x7b: {  	_ =	shalt  }
0x7c: {  	_ =	shalt  }
0x7d: {  	_ =	shalt  }
0x7e: {  	_ =	shalt  }
0x7f: {  	_ =	shalt  }
0x80: {  	_ =	shalt  }
0x81: {  	_ =	shalt  }
0x82: {  	_ =	shalt  }
0x83: {  	_ =	shalt  }
0x84: {  	_ =	shalt  }
0x85: {  	_ =	shalt  }
0x86: {  	_ =	shalt  }
0x87: {  	_ =	shalt  }
.Lfunc_end0:
.L_simem_size_0:
called_computation_lowered:
.L_overlay_start_0:
0x88: {  	s2 =	sld [smem:$0x3FD9]  }
0x89: {  	s3 =	sld [smem:$0x3FFE];
	_ =	sdelay $0x1  }
0x8a: {  	s1 =	srdreg.scid  }
0x8b: {  	s0 =	sand.u32 $0x1, s1  }
0x8c: {  	s14 =	sshll.u32 s0, $0xA;
	s2 =	sadd.s32 s3, s2  }
0x8d: {  	s2 =	sadd.s32 s2, s14  }
0x8e: {  	[smem:$0x3FC5] =	sst s2  }
0x8f: {  	_ = 	snop  }
0x90: {  	s2 =	sld [smem:$0x3FD0];
	_ =	sdelay $0x2  }
0x91: {  	s15 =	simm.s32 $0xA;
	s4 =	simm.s32 $0x10  }
0x92: {  	[smem:s4], [sflag:s15] =	dma.local [hbm:s2], $0x1  }
0x93: {  	_ =	swait.eq [sflag:s15], $0x1  }
0x94: {  	[sflag:s15] =	ssyncset.done $0x0  }
0x95: {  	s16 =	sld [smem:$0x10];
	[sflag:s15] =	ssyncadd.s32 $0xFFFFFFFF  }
0x96: {  	s17 =	sld [smem:$0x11];
	(tm) =	ssettm $0x1  }
0x97: {  	s18 =	sld [smem:$0x3FFB];
	_ =	sdelay $0x3  }
0x98: {  	_ =	strace s18  }
0x99: {  	s4 =	sld [smem:$0x3FFC];
	_ =	sdelay $0x3  }
0x9a: {  	_ =	strace s4  }
0x9b: {  	s4 =	sld [smem:$0x3FFD];
	_ =	sdelay $0x3  }
0x9c: {  	_ =	strace s4  }
0x9d: {  	_ =	strace $0x8FFFFFFF  }
0x9e: {  	s19 =	sld [smem:$0x3FDB];
	_ =	sdelay $0x1  }
0x9f: {  	s5 =	simm.s32 $_scs_section_size  }
0xa0: {  	s6 =	simm.s32 $_size__tile_overlayer_lowered;
	s7 =	simm.s32 $_tile_overlayer_lowered  }
0xa1: {  	s22 =	simm.s32 $0x1BFF;
	s21 =	sshll.u32 s7, $0x1;
	s4 =	sadd.s32 s5, s19  }
0xa2: {  	s8 =	simm.s32 $0x0;
	s20 =	sshll.u32 s6, $0x1;
	s6 =	sadd.s32 s21, s4  }
0xa3: {  	[timem:s8], [sflag:s22] =	dma.local [hbm:s6], s20  }
0xa4: {  	_ =	swait.ge [sflag:s22], s20  }
0xa5: {  	s5 =	ssub.s32 $0x0, s20;
	[sflag:s22] =	ssyncset.done $0x0  }
0xa6: {  	[sflag:s22] =	ssyncadd.s32 s5;
	_ =	sdelay $0x1  }
0xa7: {  	s23 =	simm.s32 $0x1B8B  }
0xa8: {  	_ =	swait.ge [sflag:s23], $0x1  }
0xa9: {  	[sflag:s23] =	ssyncset.done $0x0  }
0xaa: {  	s25 =	simm.s32 $0x1B8E;
	s24 =	sld [smem:$0x3FFE];
	[sflag:s23] =	ssyncadd.s32 $0xFFFFFFFF  }
0xab: {  	s26 =	simm.s32 $execute0_lowered;
	[smem:$0x3FD2] =	sst s25  }
0xac: {  	s6 =	sshll.u32 s26, $0x1;
	_ =	strace $0x80000046;
	[dreg:$0x1] =	wrdreg $0xFFFFFFFF  }
0xad: {  	s28 =	simm.s32 $_size_execute0_lowered;
	s4 =	sadd.s32 s4, s6;
	[dreg:$0x0] =	wrdreg $0x0  }
0xae: {  	s6 =	sshll.u32 s28, $0x1;
	[dreg:$0x2] =	wrdreg s4  }
0xaf: {  	[dreg:$0x3] =	wrdreg s6  }
0xb0: {  	[dreg:$0x4] =	wrdreg $0xC0  }
0xb1: {  	_ =	task [dreg:s8], $0x5FFFF  }
0xb2: {  	[dreg:$0x1] =	wrdreg $0xFFFFFFFF  }
0xb3: {  	[dreg:$0x0] =	wrdreg $0x60  }
0xb4: {  	[dreg:$0x2] =	wrdreg s24  }
0xb5: {  	[dreg:$0x3] =	wrdreg s16  }
0xb6: {  	[dreg:$0x4] =	wrdreg s17  }
0xb7: {  	[dreg:$0x5] =	wrdreg $0x9  }
0xb8: {  	_ =	task.clear_ibuf [dreg:s8], $0x6FFFF;
	_ =	strace $0x90000046  }
0xb9: {  	s29 =	simm.s32 $0x9;
	_ =	strace $0x80000048  }
0xba: {  	_ =	swait.ge [sflag:s29], $0x1  }
0xbb: {  	[sflag:s29] =	ssyncadd.s32 $0xFFFFFFFF  }
0xbc: {  	_ =	strace $0x90000048  }
0xbd: {  	_ =	sfence  }
0xbe: {  	s30 =	sld [smem:$0x0];
	_ =	sdelay $0x2  }
0xbf: {  	s31 =	sshll.u32 s1, $0xD;
	s1 =	sshrl.u32 s1, $0x2  }
0xc0: {  	s3 =	sand.u32 $0x4000, s31;
	s1 =	sadd.s32 s1, s30  }
0xc1: {  	s0 =	sor.u32 s3, s0;
	s1 =	sshll.u32 s1, $0x11  }
0xc2: {  	s0 =	sor.u32 s1, s0  }
0xc3: {  	s0 =	sadd.s32 $0x8F2B, s0  }
0xc4: {  	[sflag:s0] =	ssyncadd.remote.s32 $0x1  }
0xc5: {  	_ =	sfence.sel $0xFFFF  }
0xc6: {  	[dreg:$0x0] =	wrdreg $0xFFFFFFFF;
	(pc) =	sbr.abs _section_cstart, $3  }
0xc7: {  	[dreg:$0x1] =	wrdreg $0xFFFFFFFF  }
0xc8: {  	_ =	task.clear_ibuf [dreg:s8], $0x2FFFF;
	_ =	strace $0x9FFFFFFF  }
0xc9: {  	(tm) =	ssettm $0x7FFFFFFF  }
tec
execute0_lowered:
.L_overlay_start_1:
0x0: {  	(tag) =	ssettag $0x1  }
0x1: {  	s3 =	rddreg [dreg:$0x0]  }
0x2: {  	s4 =	rddreg [dreg:$0x1];
	s0 =	srdreg.scid  }
0x3: {  	s5 =	rddreg [dreg:$0x2];
	s1 =	stileid.u32;
	s2 =	simm.s32 $0x0  }
0x4: {  	s9 =	simm.s32 $0x1;
	s10 =	simm.s32 $0x4000;
	s11 =	simm.s32 $0x8000  }
0x5: {  	s12 =	simm.s32 $0x0;
	s6 =	sand.u32 $0x1, s0;
	s0 =	rddreg [dreg:$0x3]  }
0x6: {  	s7 =	sshll.u32 s1, $0x9;
	[smem:$0x7FF] =	sst s2;
	s8 =	sshll.u32 s6, $0x8  }
0x7: {  	s6 =	ssub.s32 $0x2, s6;
	_ =	strace $0x80000047;
	s7 =	sor.u32 s8, s7  }
0x8: {  	v0 =	vimm.s32 $0x0;
	v1 =	vimm.s32 $0x1;
	s31 =	sshrl.u32 s6, $0x1;
	s8 =	simm.s32 $0x10000;
	s3 =	sadd.s32 s7, s3  }
0x9: {  	v2 =	vimm.s32 $0x2;
	v3 =	vimm.s32 $0x3;
	v4 =	vimm.s32 $0x4;
	s6 =	ssub.s32 s6, s31;
	s4 =	sadd.s32 s4, s7;
	s5 =	sadd.s32 s5, s7  }
0xa: {  	v5 =	vimm.s32 $0x5;
	v6 =	vimm.s32 $0x6;
	v7 =	vimm.s32 $0x7;
	s7 =	simm.s32 $0x800;
	s3 =	sadd.s32 $0xC00, s3;
	s6 =	smax.u32 s6, $0x1  }
.LBB2_1:
0xb: {  	[tilespmem:s2], [sflag:$0x1] =	stream.strided.gather [hbm4b:s3+s7], $0x4000, s8, s7, $0x38;
	[tilespmem:$0x8800] =	vst v63  }
0xc: {  	_ =	swait.ge [sflag:s9], $0x4000  }
0xd: {  	[sflag:s9] =	ssyncset.done $0x0  }
0xe: {  	s13 =	simm.s32 $0x0;
	s14 =	simm.s32 $0x0;
	[sflag:s9] =	ssyncadd.s32 $0xFFFFC000  }
.LBB2_2:
0xf: {  	s15 =	sand.u32 $0x70, s14;
	s16 =	sand.u32 $0x400, s13  }
0x10: {  	s15 =	sor.u32 s15, s16  }
0x11: {  	v8 =	vld [tilespmem:s15+$0x0];
	_ =	sdelay $0x2  }
0x12: {  	s29 =	sand.u32 $0xFFFFFC00, s13  }
0x13: {  	s19 =	sadd.s32 s29, s14  }
0x14: {  	s16 =	sor.u32 $0x80, s19;
	[tilespmem:s15+$0x4000] =	vst v8  }
0x15: {  	v8 =	vld [tilespmem:s16+$0x0];
	_ =	sdelay $0x4  }
0x16: {  	[tilespmem:s16+$0x4000] =	vst v8  }
0x17: {  	v8 =	vld [tilespmem:s15+$0x100];
	_ =	sdelay $0x4  }
0x18: {  	s17 =	sor.u32 $0x180, s19;
	[tilespmem:s15+$0x4100] =	vst v8  }
0x19: {  	v8 =	vld [tilespmem:s17+$0x0];
	_ =	sdelay $0x4  }
0x1a: {  	[tilespmem:s17+$0x4000] =	vst v8  }
0x1b: {  	v8 =	vld [tilespmem:s15+$0x200];
	_ =	sdelay $0x4  }
0x1c: {  	s18 =	sor.u32 $0x280, s19;
	[tilespmem:s15+$0x4200] =	vst v8  }
0x1d: {  	v8 =	vld [tilespmem:s18+$0x0];
	_ =	sdelay $0x4  }
0x1e: {  	[tilespmem:s18+$0x4000] =	vst v8  }
0x1f: {  	v8 =	vld [tilespmem:s15+$0x300];
	_ =	sdelay $0x3  }
0x20: {  	s21 =	sor.u32 s14, s13  }
0x21: {  	s20 =	sor.u32 $0x380, s21;
	[tilespmem:s15+$0x4300] =	vst v8  }
0x22: {  	v8 =	vld [tilespmem:s20+$0x0];
	_ =	sdelay $0x4  }
0x23: {  	[tilespmem:s20+$0x4000] =	vst v8  }
0x24: {  	v8 =	vld [tilespmem:s15+$0x800];
	_ =	sdelay $0x4  }
0x25: {  	s22 =	sor.u32 $0x880, s19;
	[tilespmem:s15+$0x4800] =	vst v8  }
0x26: {  	v8 =	vld [tilespmem:s22+$0x0];
	_ =	sdelay $0x4  }
0x27: {  	[tilespmem:s22+$0x4000] =	vst v8  }
0x28: {  	v8 =	vld [tilespmem:s15+$0x900];
	_ =	sdelay $0x4  }
0x29: {  	s30 =	sor.u32 $0x980, s19;
	[tilespmem:s15+$0x4900] =	vst v8  }
0x2a: {  	v8 =	vld [tilespmem:s30+$0x0];
	_ =	sdelay $0x4  }
0x2b: {  	[tilespmem:s30+$0x4000] =	vst v8  }
0x2c: {  	v8 =	vld [tilespmem:s15+$0xA00];
	_ =	sdelay $0x4  }
0x2d: {  	s31 =	sor.u32 $0xA80, s19;
	[tilespmem:s15+$0x4A00] =	vst v8  }
0x2e: {  	v8 =	vld [tilespmem:s31+$0x0];
	_ =	sdelay $0x4  }
0x2f: {  	[tilespmem:s31+$0x4000] =	vst v8  }
0x30: {  	v8 =	vld [tilespmem:s15+$0xB00];
	_ =	sdelay $0x4  }
0x31: {  	s23 =	sor.u32 $0xB80, s21;
	[tilespmem:s15+$0x4B00] =	vst v8  }
0x32: {  	v8 =	vld [tilespmem:s23+$0x0];
	_ =	sdelay $0x4  }
0x33: {  	[tilespmem:s23+$0x4000] =	vst v8  }
0x34: {  	v8 =	vld [tilespmem:s15+$0x1000];
	_ =	sdelay $0x4  }
0x35: {  	s24 =	sor.u32 $0x1080, s19;
	[tilespmem:s15+$0x5000] =	vst v8  }
0x36: {  	v8 =	vld [tilespmem:s24+$0x0];
	_ =	sdelay $0x4  }
0x37: {  	[tilespmem:s24+$0x4000] =	vst v8  }
0x38: {  	v8 =	vld [tilespmem:s15+$0x1100];
	_ =	sdelay $0x4  }
0x39: {  	s25 =	sor.u32 $0x1180, s19;
	[tilespmem:s15+$0x5100] =	vst v8  }
0x3a: {  	v8 =	vld [tilespmem:s25+$0x0];
	_ =	sdelay $0x4  }
0x3b: {  	[tilespmem:s25+$0x4000] =	vst v8  }
0x3c: {  	v8 =	vld [tilespmem:s15+$0x1200];
	_ =	sdelay $0x4  }
0x3d: {  	s26 =	sor.u32 $0x1280, s19;
	[tilespmem:s15+$0x5200] =	vst v8  }
0x3e: {  	v8 =	vld [tilespmem:s26+$0x0];
	_ =	sdelay $0x4  }
0x3f: {  	[tilespmem:s26+$0x4000] =	vst v8  }
0x40: {  	v8 =	vld [tilespmem:s15+$0x1300];
	_ =	sdelay $0x4  }
0x41: {  	s28 =	sor.u32 $0x1380, s21;
	[tilespmem:s15+$0x5300] =	vst v8  }
0x42: {  	v8 =	vld [tilespmem:s28+$0x0];
	_ =	sdelay $0x4  }
0x43: {  	[tilespmem:s28+$0x4000] =	vst v8  }
0x44: {  	v8 =	vld [tilespmem:s15+$0x1800];
	_ =	sdelay $0x4  }
0x45: {  	s29 =	sor.u32 $0x1880, s19;
	[tilespmem:s15+$0x5800] =	vst v8  }
0x46: {  	v8 =	vld [tilespmem:s29+$0x0];
	_ =	sdelay $0x4  }
0x47: {  	[tilespmem:s29+$0x4000] =	vst v8  }
0x48: {  	v8 =	vld [tilespmem:s15+$0x1900];
	_ =	sdelay $0x4  }
0x49: {  	s30 =	sor.u32 $0x1980, s19;
	[tilespmem:s15+$0x5900] =	vst v8  }
0x4a: {  	v8 =	vld [tilespmem:s30+$0x0];
	_ =	sdelay $0x4  }
0x4b: {  	[tilespmem:s30+$0x4000] =	vst v8  }
0x4c: {  	v8 =	vld [tilespmem:s15+$0x1A00];
	_ =	sdelay $0x4  }
0x4d: {  	s31 =	sor.u32 $0x1A80, s19;
	[tilespmem:s15+$0x5A00] =	vst v8  }
0x4e: {  	v8 =	vld [tilespmem:s31+$0x0];
	_ =	sdelay $0x4  }
0x4f: {  	[tilespmem:s31+$0x4000] =	vst v8  }
0x50: {  	v8 =	vld [tilespmem:s15+$0x1B00];
	_ =	sdelay $0x4  }
0x51: {  	s23 =	sor.u32 $0x1B80, s21;
	[tilespmem:s15+$0x5B00] =	vst v8  }
0x52: {  	v8 =	vld [tilespmem:s23+$0x0];
	_ =	sdelay $0x4  }
0x53: {  	[tilespmem:s23+$0x4000] =	vst v8  }
0x54: {  	v8 =	vld [tilespmem:s15+$0x2000];
	_ =	sdelay $0x4  }
0x55: {  	s24 =	sor.u32 $0x2080, s19;
	[tilespmem:s15+$0x6000] =	vst v8  }
0x56: {  	v8 =	vld [tilespmem:s24+$0x0];
	_ =	sdelay $0x4  }
0x57: {  	[tilespmem:s24+$0x4000] =	vst v8  }
0x58: {  	v8 =	vld [tilespmem:s15+$0x2100];
	_ =	sdelay $0x4  }
0x59: {  	s25 =	sor.u32 $0x2180, s19;
	[tilespmem:s15+$0x6100] =	vst v8  }
0x5a: {  	v8 =	vld [tilespmem:s25+$0x0];
	_ =	sdelay $0x4  }
0x5b: {  	[tilespmem:s25+$0x4000] =	vst v8  }
0x5c: {  	v8 =	vld [tilespmem:s15+$0x2200];
	_ =	sdelay $0x4  }
0x5d: {  	s26 =	sor.u32 $0x2280, s19;
	[tilespmem:s15+$0x6200] =	vst v8  }
0x5e: {  	v8 =	vld [tilespmem:s26+$0x0];
	_ =	sdelay $0x4  }
0x5f: {  	[tilespmem:s26+$0x4000] =	vst v8  }
0x60: {  	v8 =	vld [tilespmem:s15+$0x2300];
	_ =	sdelay $0x4  }
0x61: {  	s28 =	sor.u32 $0x2380, s21;
	[tilespmem:s15+$0x6300] =	vst v8  }
0x62: {  	v8 =	vld [tilespmem:s28+$0x0];
	_ =	sdelay $0x4  }
0x63: {  	[tilespmem:s28+$0x4000] =	vst v8  }
0x64: {  	v8 =	vld [tilespmem:s15+$0x2800];
	_ =	sdelay $0x4  }
0x65: {  	s29 =	sor.u32 $0x2880, s19;
	[tilespmem:s15+$0x6800] =	vst v8  }
0x66: {  	v8 =	vld [tilespmem:s29+$0x0];
	_ =	sdelay $0x4  }
0x67: {  	[tilespmem:s29+$0x4000] =	vst v8  }
0x68: {  	v8 =	vld [tilespmem:s15+$0x2900];
	_ =	sdelay $0x4  }
0x69: {  	s30 =	sor.u32 $0x2980, s19;
	[tilespmem:s15+$0x6900] =	vst v8  }
0x6a: {  	v8 =	vld [tilespmem:s30+$0x0];
	_ =	sdelay $0x4  }
0x6b: {  	[tilespmem:s30+$0x4000] =	vst v8  }
0x6c: {  	v8 =	vld [tilespmem:s15+$0x2A00];
	_ =	sdelay $0x4  }
0x6d: {  	s31 =	sor.u32 $0x2A80, s19;
	[tilespmem:s15+$0x6A00] =	vst v8  }
0x6e: {  	v8 =	vld [tilespmem:s31+$0x0];
	_ =	sdelay $0x4  }
0x6f: {  	[tilespmem:s31+$0x4000] =	vst v8  }
0x70: {  	v8 =	vld [tilespmem:s15+$0x2B00];
	_ =	sdelay $0x4  }
0x71: {  	s23 =	sor.u32 $0x2B80, s21;
	[tilespmem:s15+$0x6B00] =	vst v8  }
0x72: {  	v8 =	vld [tilespmem:s23+$0x0];
	_ =	sdelay $0x4  }
0x73: {  	[tilespmem:s23+$0x4000] =	vst v8  }
0x74: {  	v8 =	vld [tilespmem:s15+$0x3000];
	_ =	sdelay $0x4  }
0x75: {  	s24 =	sor.u32 $0x3080, s19;
	[tilespmem:s15+$0x7000] =	vst v8  }
0x76: {  	v8 =	vld [tilespmem:s24+$0x0];
	_ =	sdelay $0x4  }
0x77: {  	[tilespmem:s24+$0x4000] =	vst v8  }
0x78: {  	v8 =	vld [tilespmem:s15+$0x3100];
	_ =	sdelay $0x4  }
0x79: {  	s25 =	sor.u32 $0x3180, s19;
	[tilespmem:s15+$0x7100] =	vst v8  }
0x7a: {  	v8 =	vld [tilespmem:s25+$0x0];
	_ =	sdelay $0x4  }
0x7b: {  	[tilespmem:s25+$0x4000] =	vst v8  }
0x7c: {  	v8 =	vld [tilespmem:s15+$0x3200];
	_ =	sdelay $0x4  }
0x7d: {  	s26 =	sor.u32 $0x3280, s19;
	[tilespmem:s15+$0x7200] =	vst v8  }
0x7e: {  	v8 =	vld [tilespmem:s26+$0x0];
	_ =	sdelay $0x4  }
0x7f: {  	[tilespmem:s26+$0x4000] =	vst v8  }
0x80: {  	v8 =	vld [tilespmem:s15+$0x3300];
	_ =	sdelay $0x4  }
0x81: {  	s28 =	sor.u32 $0x3380, s21;
	[tilespmem:s15+$0x7300] =	vst v8  }
0x82: {  	v8 =	vld [tilespmem:s28+$0x0];
	_ =	sdelay $0x4  }
0x83: {  	[tilespmem:s28+$0x4000] =	vst v8  }
0x84: {  	v8 =	vld [tilespmem:s15+$0x3800];
	_ =	sdelay $0x4  }
0x85: {  	s29 =	sor.u32 $0x3880, s19;
	[tilespmem:s15+$0x7800] =	vst v8  }
0x86: {  	v8 =	vld [tilespmem:s29+$0x0];
	_ =	sdelay $0x4  }
0x87: {  	[tilespmem:s29+$0x4000] =	vst v8  }
0x88: {  	v8 =	vld [tilespmem:s15+$0x3900];
	_ =	sdelay $0x4  }
0x89: {  	s30 =	sor.u32 $0x3980, s19;
	[tilespmem:s15+$0x7900] =	vst v8  }
0x8a: {  	v8 =	vld [tilespmem:s30+$0x0];
	_ =	sdelay $0x4  }
0x8b: {  	[tilespmem:s30+$0x4000] =	vst v8  }
0x8c: {  	v8 =	vld [tilespmem:s15+$0x3A00];
	_ =	sdelay $0x4  }
0x8d: {  	s19 =	sor.u32 $0x3A80, s19;
	[tilespmem:s15+$0x7A00] =	vst v8  }
0x8e: {  	v8 =	vld [tilespmem:s19+$0x0];
	_ =	sdelay $0x4  }
0x8f: {  	[tilespmem:s19+$0x4000] =	vst v8  }
0x90: {  	v8 =	vld [tilespmem:s15+$0x3B00];
	_ =	sdelay $0x4  }
0x91: {  	s31 =	sor.u32 $0x3B80, s21;
	[tilespmem:s15+$0x7B00] =	vst v8  }
0x92: {  	v8 =	vld [tilespmem:s31+$0x0];
	_ =	sdelay $0x4  }
0x93: {  	[tilespmem:s31+$0x4000] =	vst v8  }
0x94: {  	[tilespmem:s15+$0x8000] =	vst v0  }
0x95: {  	[tilespmem:s16+$0x8000] =	vst v1  }
0x96: {  	p0 =	sne.s32 s14, $0xF0;
	[tilespmem:s15+$0x8100] =	vst v2  }
.Ltmp0:
0x97: {  	[tilespmem:s17+$0x8000] =	vst v3;
	(pc) =	sbr.rel @p0 .LBB2_2-.Ltmp0, $4  }
0x98: {  	[tilespmem:s15+$0x8200] =	vst v4  }
0x99: {  	[tilespmem:s18+$0x8000] =	vst v5  }
0x9a: {  	[tilespmem:s15+$0x8300] =	vst v6  }
0x9b: {  	s13 =	sadd.s32 $0x80, s13;
	s14 =	sadd.s32 $0x10, s14;
	[tilespmem:s20+$0x8000] =	vst v7  }
0x9c: {  	[hbm4b:s4+s7] =	stream.strided.scatter [tilespmem:s10], [sflag:$0x1], $0x4000, s8, s7, $0x38;
	[tilespmem:$0x8800] =	vst v63  }
0x9d: {  	s12 =	sadd.s32 $0x1, s12;
	_ =	swait.ge [sflag:s9], $0x4000  }
0x9e: {  	p0 =	sne.s32 s12, s6;
	[sflag:s9] =	ssyncset.done $0x0  }
.Ltmp1:
0x9f: {  	[sflag:s9] =	ssyncadd.s32 $0xFFFFC000;
	(pc) =	sbr.rel @p0 .LBB2_1-.Ltmp1, $4  }
0xa0: {  	[hbm4b:s5+s2] =	stream.linear.scatter [tilespmem:s11], [sflag:$0x1], $0x800, $0x38;
	[tilespmem:$0x8800] =	vst v63  }
0xa1: {  	_ =	swait.ge [sflag:s9], $0x800  }
0xa2: {  	[sflag:s9] =	ssyncset.done $0x0  }
0xa3: {  	[sflag:s9] =	ssyncadd.s32 $0xFFFFF800  }
0xa4: {  	_ =	sfence.sel $0x180000  }
0xa5: {  	[bflag:$0x0] =	sbarrier.arrive $0xFFFF  }
0xa6: {  	p0 =	sne.s32 s1, $0x0;
	_ =	strace $0x90000047  }
0xa7: {  	s0 =	sadd.s32 @!p0 $0x100000, s0;
	[bflag:$0x2] =	sbarrier.arrive $0xFFFF  }
0xa8: {  	[sflag:s0] =	ssyncadd.tile.s32 @!p0 $0x1;
	_ =	shalt  }
.Lfunc_end2:
_tile_overlayer_lowered:
.L_overlay_start_2:
0xa9: {  	(tag) =	ssettag $0x2  }
0xaa: {  	s0 =	rddreg [dreg:$0x0];
	s2 =	stileid.u32  }
0xab: {  	s1 =	rddreg [dreg:$0x1];
	p0 =	sne.s32 s2, $0x0  }
0xac: {  	s3 =	rddreg [dreg:$0x2];
	[bflag:$0x3] =	sbarrier.arrive $0xFFFF;
	s2 =	simm.s32 @!p0 $0x1C01  }
0xad: {  	[timem:s3], [sflag:s2] =	dma.local @!p0 [hbm:s0], s1  }
0xae: {  	s0 =	simm.s32 @!p0 $0x1  }
0xaf: {  	_ =	swait.ge @!p0 [sflag:s0], s1  }
0xb0: {  	s1 =	ssub.s32 @!p0 $0x0, s1;
	[sflag:s0] =	ssyncset.done @!p0 $0x0  }
0xb1: {  	[sflag:s0] =	ssyncadd.s32 @!p0 s1  }
0xb2: {  	[bflag:$0x3] =	sbarrier.arrive $0xFFFF  }
0xb3: {  	_ =	shalt  }

</sc_bundles>
